<compile_context>
chip_gen: v7x
topology: tpu7x:2x2x1
jax: 0.10.2.dev20260603
libtpu: 0.0.44.dev20260713+nightly
codegen_flags: <defaults>
</compile_context>

<pallas_src>
import functools

import jax
import jax.numpy as jnp
from jax import lax
from jax.experimental import pallas as pl
from jax.experimental.pallas import tpu as pltpu
from jax.experimental.pallas import tpu_sc as plsc

N = 10000
NPAD = 10240
E = 320000
EPAD = 327680
D = 128
G = 64
O = 64
EPS = 1e-5

NC = 2
NS = 16
NW = NC * NS
EW = EPAD // NW
CHUNK = 128
NCHUNK = EW // CHUNK
RPT = NPAD // NS

def _deg_body(dst_hbm, ones_hbm, z_hbm, out, didx_all, ones_v, acc_sh):
    c = lax.axis_index("c")
    s = lax.axis_index("s")
    w = c * NS + s
    r0 = s * RPT
    pltpu.sync_copy(z_hbm.at[pl.ds(r0, RPT)], acc_sh.at[pl.ds(r0, RPT)])
    pltpu.sync_copy(ones_hbm, ones_v)
    pltpu.sync_copy(dst_hbm.at[pl.ds(w * NCHUNK, NCHUNK)], didx_all)
    plsc.subcore_barrier()

    def body(j, carry):
        pltpu.sync_copy(ones_v, acc_sh.at[didx_all.at[j]], add=True)
        return carry

    lax.fori_loop(0, NCHUNK, body, 0)
    plsc.subcore_barrier()
    pltpu.sync_copy(acc_sh.at[pl.ds(r0, RPT)], out.at[c, pl.ds(r0, RPT)])


IBLK = 40
NBT = EPAD // CHUNK // IBLK
B0 = NBT // NS // 2
B1 = NBT // NS - B0
BMAX = max(B0, B1)


def _agg_body(src_hbm, dst_hbm, table_hbm, z_hbm, out,
              sidx_blk, didx_blk, rows0, rows1, acc_sh, sem0, sem1):
    c = lax.axis_index("c")
    s = lax.axis_index("s")
    r0 = s * RPT
    pltpu.sync_copy(z_hbm.at[pl.ds(r0, RPT)], acc_sh.at[pl.ds(r0, RPT)])
    plsc.subcore_barrier()

    nblk = jnp.where(c == 0, B0, B1)
    start = jnp.where(c == 0, s * B0, NS * B0 + s * B1)

    def outer(b, carry):
        @pl.when(b < nblk)
        def _():
            base = (start + b) * IBLK
            pltpu.sync_copy(src_hbm.at[pl.ds(base, IBLK)], sidx_blk)
            pltpu.sync_copy(dst_hbm.at[pl.ds(base, IBLK)], didx_blk)
            pltpu.async_copy(table_hbm.at[sidx_blk.at[0]], rows0, sem0)

            def inner(i, carry2):
                j0 = 2 * i
                j1 = j0 + 1
                pltpu.async_copy(table_hbm.at[sidx_blk.at[j1]], rows1, sem1)
                pltpu.make_async_copy(
                    table_hbm.at[sidx_blk.at[j0]], rows0, sem0).wait()
                pltpu.sync_copy(rows0, acc_sh.at[didx_blk.at[j0]], add=True)

                @pl.when(i < IBLK // 2 - 1)
                def _():
                    pltpu.async_copy(
                        table_hbm.at[sidx_blk.at[j1 + 1]], rows0, sem0)

                pltpu.make_async_copy(
                    table_hbm.at[sidx_blk.at[j1]], rows1, sem1).wait()
                pltpu.sync_copy(rows1, acc_sh.at[didx_blk.at[j1]], add=True)
                return carry2

            lax.fori_loop(0, IBLK // 2, inner, 0)
        return carry

    lax.fori_loop(0, BMAX, outer, 0)
    plsc.subcore_barrier()
    pltpu.sync_copy(acc_sh.at[pl.ds(r0, RPT)], out.at[c, pl.ds(r0, RPT)])


@functools.lru_cache(maxsize=1)
def _sc_kernels():
    mesh = plsc.VectorSubcoreMesh(
        core_axis_name="c", subcore_axis_name="s",
        num_cores=NC, num_subcores=NS)
    deg = pl.kernel(
        _deg_body,
        out_type=jax.ShapeDtypeStruct((NC, NPAD, D), jnp.float32),
        mesh=mesh,
        scratch_types=[
            pltpu.VMEM((NCHUNK, CHUNK), jnp.int32),
            pltpu.VMEM((CHUNK, D), jnp.float32),
            pltpu.VMEM_SHARED((NPAD, D), jnp.float32),
        ],
    )
    agg = pl.kernel(
        _agg_body,
        out_type=jax.ShapeDtypeStruct((NC, NPAD, D), jnp.float32),
        mesh=mesh,
        scratch_types=[
            pltpu.VMEM((IBLK, CHUNK), jnp.int32),
            pltpu.VMEM((IBLK, CHUNK), jnp.int32),
            pltpu.VMEM((CHUNK, D), jnp.float32),
            pltpu.VMEM((CHUNK, D), jnp.float32),
            pltpu.VMEM_SHARED((NPAD, D), jnp.float32),
            pltpu.SemaphoreType.DMA,
            pltpu.SemaphoreType.DMA,
        ],
    )
    return deg, agg



BR = 512
NBLK = NPAD // BR


def _mm1_body(x_ref, w_ref, deg_ref, h1p_ref, disb_ref):
    j = pl.program_id(0)
    deg = deg_ref[0, :, 0:1] + deg_ref[1, :, 0:1]
    degc = deg + 1.0
    dis = lax.rsqrt(degc)
    rows = lax.broadcasted_iota(jnp.int32, (BR, 1), 0) + j * BR
    dism = jnp.where(rows < N, dis, 0.0)
    h = jnp.dot(x_ref[...], w_ref[...], preferred_element_type=jnp.float32)
    db = jnp.broadcast_to(dism, (BR, D))
    h1p_ref[...] = h * db
    disb_ref[...] = db


def _mm2_body(acc, h1p, disb, w2, b1, g1, be1, m1, v1, h2p_ref):
    s1 = (acc[0] + acc[1] + h1p[...]) * disb[...] + b1[...]
    z1 = (s1 - m1[...]) * lax.rsqrt(v1[...] + EPS) * g1[...] + be1[...]
    z1 = jnp.maximum(z1, 0.0)
    h2p_ref[...] = jnp.dot(
        z1, w2[...], preferred_element_type=jnp.float32) * disb[...]


def _pool_body(acc, h2p, disb, b2, g2, be2, m2, v2, batch_ref, fcw, fcb,
               out_ref, sums, cnts):
    j = pl.program_id(0)
    s2 = (acc[0] + acc[1] + h2p[...]) * disb[...] + b2[...]
    z2 = (s2 - m2[...]) * lax.rsqrt(v2[...] + EPS) * g2[...] + be2[...]
    z2 = jnp.maximum(z2, 0.0)
    bcol = batch_ref[...]
    gids = lax.broadcasted_iota(jnp.int32, (1, G), 1)
    oh = (bcol == gids).astype(jnp.float32)

    @pl.when(j == 0)
    def _():
        sums[...] = jnp.zeros((G, D), jnp.float32)
        cnts[...] = jnp.zeros((G, D), jnp.float32)

    dn = (((0,), (0,)), ((), ()))
    sums[...] += lax.dot_general(oh, z2, dn,
                                 preferred_element_type=jnp.float32)
    cnts[...] += lax.dot_general(oh, jnp.ones((BR, D), jnp.float32), dn,
                                 preferred_element_type=jnp.float32)

    @pl.when(j == NBLK - 1)
    def _():
        pooled = sums[...] / jnp.maximum(cnts[...], 1.0)
        out_ref[...] = jnp.dot(
            pooled, fcw[...], preferred_element_type=jnp.float32) + fcb[...]


def _row_spec(width):
    return pl.BlockSpec((BR, width), lambda j: (j, 0))


def _prow_spec(width):
    return pl.BlockSpec((NC, BR, width), lambda j: (0, j, 0))


def _full_spec(shape):
    return pl.BlockSpec(shape, lambda j: (0, 0))


def _sds(shape):
    return jax.ShapeDtypeStruct(shape, jnp.float32)


_mm1_call = pl.pallas_call(
    _mm1_body,
    grid=(NBLK,),
    in_specs=[_row_spec(D), _full_spec((D, D)), _prow_spec(D)],
    out_specs=[_row_spec(D), _row_spec(D)],
    out_shape=[_sds((NPAD, D)), _sds((NPAD, D))],
)

_mm2_call = pl.pallas_call(
    _mm2_body,
    grid=(NBLK,),
    in_specs=[_prow_spec(D), _row_spec(D), _row_spec(D),
              _full_spec((D, D))] + [_full_spec((1, D))] * 5,
    out_specs=_row_spec(D),
    out_shape=_sds((NPAD, D)),
)

_pool_call = pl.pallas_call(
    _pool_body,
    grid=(NBLK,),
    in_specs=[_prow_spec(D), _row_spec(D), _row_spec(D)]
             + [_full_spec((1, D))] * 5
             + [_row_spec(1), _full_spec((D, O)), _full_spec((1, O))],
    out_specs=_full_spec((G, O)),
    out_shape=_sds((G, O)),
    scratch_shapes=[pltpu.VMEM((G, D), jnp.float32),
                    pltpu.VMEM((G, D), jnp.float32)],
)


def kernel(x, edge_index, batch, W1, b1, bn1_gamma, bn1_beta, bn1_mean,
           bn1_var, W2, b2, bn2_gamma, bn2_beta, bn2_mean, bn2_var, fcW, fcb):
    f32 = jnp.float32
    pad_e = jnp.full((EPAD - E,), N, jnp.int32)
    srcp = jnp.concatenate([edge_index[0], pad_e]).reshape(EPAD // CHUNK, CHUNK)
    dstp = jnp.concatenate([edge_index[1], pad_e]).reshape(EPAD // CHUNK, CHUNK)
    xp = jnp.pad(x, ((0, NPAD - N), (0, 0)))
    batchp = jnp.concatenate(
        [batch, jnp.full((NPAD - N,), G, jnp.int32)]).reshape(NPAD, 1)
    ones128 = jnp.ones((CHUNK, D), f32)
    z128 = jnp.zeros((NPAD, D), f32)

    _deg_kernel, _agg_kernel = _sc_kernels()
    degs = _deg_kernel(dstp, ones128, z128)
    h1p, disb = _mm1_call(xp, W1, degs)
    acc1 = _agg_kernel(srcp, dstp, h1p, z128)
    h2p = _mm2_call(acc1, h1p, disb, W2,
                    b1.reshape(1, D), bn1_gamma.reshape(1, D),
                    bn1_beta.reshape(1, D), bn1_mean.reshape(1, D),
                    bn1_var.reshape(1, D))
    acc2 = _agg_kernel(srcp, dstp, h2p, z128)
    out = _pool_call(acc2, h2p, disb,
                     b2.reshape(1, D), bn2_gamma.reshape(1, D),
                     bn2_beta.reshape(1, D), bn2_mean.reshape(1, D),
                     bn2_var.reshape(1, D),
                     batchp, fcW, fcb.reshape(1, O))
    return out

# --- scband reference (transcript-rebuilt; emitter-appended) ---
"""Pipeline reference for scband-gcnmodel-70815420776783 (READ-ONLY COPY).

The authoritative reference and input builder live on the scoring server;
editing this copy changes nothing except your own understanding.
"""

import jax, jax.numpy as jnp
import numpy as np

N = 10000
E = 320000
D = 128
H = 128
O = 64
G = 64


def setup_inputs(seed: int = 0) -> dict:
    key = jax.random.key(seed)
    ks = jax.random.split(key, 16)
    x = jax.random.normal(ks[0], (N, D), dtype=jnp.float32)
    edge_index = jax.random.randint(ks[1], (2, E), 0, N, dtype=jnp.int32)
    batch = jnp.sort(jax.random.randint(ks[2], (N,), 0, G, dtype=jnp.int32))
    W1 = jax.random.normal(ks[3], (D, H), dtype=jnp.float32) * (1.0 / np.sqrt(D))
    b1 = jnp.zeros((H,), dtype=jnp.float32)
    bn1_gamma = jnp.ones((H,), dtype=jnp.float32)
    bn1_beta = jnp.zeros((H,), dtype=jnp.float32)
    bn1_mean = jnp.zeros((H,), dtype=jnp.float32)
    bn1_var = jnp.ones((H,), dtype=jnp.float32)
    W2 = jax.random.normal(ks[4], (H, H), dtype=jnp.float32) * (1.0 / np.sqrt(H))
    b2 = jnp.zeros((H,), dtype=jnp.float32)
    bn2_gamma = jnp.ones((H,), dtype=jnp.float32)
    bn2_beta = jnp.zeros((H,), dtype=jnp.float32)
    bn2_mean = jnp.zeros((H,), dtype=jnp.float32)
    bn2_var = jnp.ones((H,), dtype=jnp.float32)
    fcW = jax.random.normal(ks[5], (H, O), dtype=jnp.float32) * (1.0 / np.sqrt(H))
    fcb = jnp.zeros((O,), dtype=jnp.float32)
    return {
        "x": x, "edge_index": edge_index, "batch": batch,
        "W1": W1, "b1": b1,
        "bn1_gamma": bn1_gamma, "bn1_beta": bn1_beta, "bn1_mean": bn1_mean, "bn1_var": bn1_var,
        "W2": W2, "b2": b2,
        "bn2_gamma": bn2_gamma, "bn2_beta": bn2_beta, "bn2_mean": bn2_mean, "bn2_var": bn2_var,
        "fcW": fcW, "fcb": fcb,
    }


def _gcn_conv(x, edge_index, W, b):
    # PyG GCNConv: add self-loops, symmetric normalization, scatter-add aggregation
    n = x.shape[0]
    loop = jnp.arange(n, dtype=edge_index.dtype)
    src = jnp.concatenate([edge_index[0], loop])
    dst = jnp.concatenate([edge_index[1], loop])
    deg = jax.ops.segment_sum(jnp.ones_like(dst, dtype=x.dtype), dst, num_segments=n)
    deg_inv_sqrt = jnp.where(deg > 0, jax.lax.rsqrt(jnp.maximum(deg, 1e-12)), 0.0)
    norm = deg_inv_sqrt[src] * deg_inv_sqrt[dst]
    h = x @ W
    msg = h[src] * norm[:, None]
    out = jax.ops.segment_sum(msg, dst, num_segments=n)
    return out + b


def _bn_eval(x, gamma, beta, mean, var, eps=1e-5):
    return (x - mean) * jax.lax.rsqrt(var + eps) * gamma + beta


def reference(x, edge_index, batch, W1, b1, bn1_gamma, bn1_beta, bn1_mean, bn1_var,
              W2, b2, bn2_gamma, bn2_beta, bn2_mean, bn2_var, fcW, fcb):
    h = _gcn_conv(x, edge_index, W1, b1)
    h = _bn_eval(h, bn1_gamma, bn1_beta, bn1_mean, bn1_var)
    h = jax.nn.relu(h)
    # dropout is identity in eval mode
    h = _gcn_conv(h, edge_index, W2, b2)
    h = _bn_eval(h, bn2_gamma, bn2_beta, bn2_mean, bn2_var)
    h = jax.nn.relu(h)
    # global_mean_pool over graph ids in `batch`
    sums = jax.ops.segment_sum(h, batch, num_segments=G)
    counts = jax.ops.segment_sum(jnp.ones((h.shape[0],), dtype=h.dtype), batch, num_segments=G)
    pooled = sums / jnp.maximum(counts, 1.0)[:, None]
    return pooled @ fcW + fcb

if __name__ == "__main__":
    import jax
    _d = setup_inputs()
    print(jax.jit(kernel)(*tuple(_d.values())))

</pallas_src>

<mosaic_0001>
#map = affine_map<(d0, d1) -> (0, 0)>
#map1 = affine_map<(d0, d1) -> (0, 0, 0)>
module attributes {stable_mosaic.version = 14 : i64} {
  func.func @_agg_body(%arg0: i32, %arg1: i32, %arg2: memref<2560x128xi32, #tpu.memory_space<hbm>>, %arg3: memref<2560x128xi32, #tpu.memory_space<hbm>>, %arg4: memref<10240x128xf32, #tpu.memory_space<hbm>>, %arg5: memref<10240x128xf32, #tpu.memory_space<hbm>>, %arg6: memref<2x10240x128xf32, #tpu.memory_space<hbm>>, %arg7: memref<40x128xi32, #tpu.memory_space<vmem>>, %arg8: memref<40x128xi32, #tpu.memory_space<vmem>>, %arg9: memref<128x128xf32, #tpu.memory_space<vmem>>, %arg10: memref<128x128xf32, #tpu.memory_space<vmem>>, %arg11: memref<10240x128xf32, #tpu.memory_space<vmem_shared>>, %arg12: memref<!tpu.dma_semaphore, #tpu.memory_space<semaphore_mem>>, %arg13: memref<!tpu.dma_semaphore, #tpu.memory_space<semaphore_mem>>) attributes {dimension_semantics = [#tpu.dimension_semantics<core_parallel>, #tpu.dimension_semantics<subcore_parallel>], iteration_bounds = array<i64: 2, 16>, scalar_prefetch = 0 : i64, scratch_operands = 7 : i64, tpu.core_type = #tpu.core_type<sc_vector_subcore>, window_params = [{transform_indices = #map}, {transform_indices = #map}, {transform_indices = #map}, {transform_indices = #map}, {transform_indices = #map1}]} {
    %mul3A = arith.constant 640 : i32
    %mul3A_0 = arith.muli %arg1, %mul3A : i32
    "tpu.region"() ({
      %run_scoped3A = tpu.sem_alloc : memref<!tpu.dma_semaphore, #tpu.memory_space<semaphore_mem>>
      %dma_start3A = arith.constant 0 : i32
      %dma_start3A_17 = tpu.memref_slice %arg11[%mul3A_0, %dma_start3A] : memref<10240x128xf32, #tpu.memory_space<vmem_shared>> -> memref<640x128xf32, #tpu.memory_space<vmem_shared>>
      %dma_start3A_18 = arith.constant 0 : i32
      %dma_start3A_19 = tpu.memref_slice %arg5[%mul3A_0, %dma_start3A_18] : memref<10240x128xf32, #tpu.memory_space<hbm>> -> memref<640x128xf32, #tpu.memory_space<hbm>>
      tpu.enqueue_dma source(%dma_start3A_19 : memref<640x128xf32, #tpu.memory_space<hbm>>) target(%dma_start3A_17 : memref<640x128xf32, #tpu.memory_space<vmem_shared>>) target_semaphore(%run_scoped3A : memref<!tpu.dma_semaphore, #tpu.memory_space<semaphore_mem>>)
      %dma_wait3A = arith.constant 0 : i32
      %dma_wait3A_20 = tpu.memref_slice %arg11[%mul3A_0, %dma_wait3A] : memref<10240x128xf32, #tpu.memory_space<vmem_shared>> -> memref<640x128xf32, #tpu.memory_space<vmem_shared>>
      %dma_wait3A_21 = arith.constant 0 : i32
      %dma_wait3A_22 = tpu.memref_slice %arg5[%mul3A_0, %dma_wait3A_21] : memref<10240x128xf32, #tpu.memory_space<hbm>> -> memref<640x128xf32, #tpu.memory_space<hbm>>
      tpu.wait_dma2 semaphore(%run_scoped3A : memref<!tpu.dma_semaphore, #tpu.memory_space<semaphore_mem>>) src(%dma_wait3A_22 : memref<640x128xf32, #tpu.memory_space<hbm>>) dst(%dma_wait3A_20 : memref<640x128xf32, #tpu.memory_space<vmem_shared>>)
      tpu.yield
    }) : () -> ()
    %barrier3A = arith.constant 0 : index
    tpu.barrier barrier_id(%barrier3A)
    %eq3A = arith.constant 0 : i32
    %eq3A_1 = arith.cmpi eq, %arg0, %eq3A : i32
    %jit3A = arith.constant 2 : i32
    %jit3A_2 = arith.constant 2 : i32
    %select_n3A = arith.select %eq3A_1, %jit3A, %jit3A_2 : i32
    %eq3A_3 = arith.constant 0 : i32
    %eq3A_4 = arith.cmpi eq, %arg0, %eq3A_3 : i32
    %mul3A_5 = arith.constant 2 : i32
    %mul3A_6 = arith.muli %arg1, %mul3A_5 : i32
    %mul3A_7 = arith.constant 2 : i32
    %mul3A_8 = arith.muli %arg1, %mul3A_7 : i32
    %add3A = arith.constant 32 : i32
    %add3A_9 = arith.addi %add3A, %mul3A_8 : i32
    %select_n3A_10 = arith.select %eq3A_4, %mul3A_6, %add3A_9 : i32
    %scan3A = arith.constant 0 : i32
    %scan3A_11 = arith.constant 0 : i32
    %scan3A_12 = arith.constant 2 : i32
    %scan3A_13 = arith.addi %scan3A_11, %scan3A_12 : i32
    %scan3A_14 = arith.constant 1 : i32
    scf.for %scan3A_17 = %scan3A_11 to %scan3A_13 step %scan3A_14  : i32 {
      %lt3A = arith.cmpi slt, %scan3A_17, %select_n3A : i32
      %convert_element_type3A = arith.extui %lt3A : i1 to i32
      %cond3A = arith.constant 0 : i32
      %cond3A_18 = arith.cmpi ne, %convert_element_type3A, %cond3A : i32
      scf.if %cond3A_18 {
        %add3A_19 = arith.addi %select_n3A_10, %scan3A_17 : i32
        %mul3A_20 = arith.constant 40 : i32
        %mul3A_21 = arith.muli %add3A_19, %mul3A_20 : i32
        "tpu.region"() ({
          %run_scoped3A = tpu.sem_alloc : memref<!tpu.dma_semaphore, #tpu.memory_space<semaphore_mem>>
          %dma_start3A_34 = arith.constant 0 : i32
          %dma_start3A_35 = tpu.memref_slice %arg2[%mul3A_21, %dma_start3A_34] : memref<2560x128xi32, #tpu.memory_space<hbm>> -> memref<40x128xi32, #tpu.memory_space<hbm>>
          %dma_start3A_36 = arith.constant 0 : i32
          %dma_start3A_37 = tpu.memref_slice %arg2[%mul3A_21, %dma_start3A_36] : memref<2560x128xi32, #tpu.memory_space<hbm>> -> memref<40x128xi32, #tpu.memory_space<hbm>>
          tpu.enqueue_dma source(%dma_start3A_37 : memref<40x128xi32, #tpu.memory_space<hbm>>) target(%arg7 : memref<40x128xi32, #tpu.memory_space<vmem>>) target_semaphore(%run_scoped3A : memref<!tpu.dma_semaphore, #tpu.memory_space<semaphore_mem>>)
          %dma_wait3A = arith.constant 0 : i32
          %dma_wait3A_38 = tpu.memref_slice %arg2[%mul3A_21, %dma_wait3A] : memref<2560x128xi32, #tpu.memory_space<hbm>> -> memref<40x128xi32, #tpu.memory_space<hbm>>
          %dma_wait3A_39 = arith.constant 0 : i32
          %dma_wait3A_40 = tpu.memref_slice %arg2[%mul3A_21, %dma_wait3A_39] : memref<2560x128xi32, #tpu.memory_space<hbm>> -> memref<40x128xi32, #tpu.memory_space<hbm>>
          tpu.wait_dma2 semaphore(%run_scoped3A : memref<!tpu.dma_semaphore, #tpu.memory_space<semaphore_mem>>) src(%dma_wait3A_40 : memref<40x128xi32, #tpu.memory_space<hbm>>) dst(%arg7 : memref<40x128xi32, #tpu.memory_space<vmem>>)
          tpu.yield
        }) : () -> ()
        "tpu.region"() ({
          %run_scoped3A = tpu.sem_alloc : memref<!tpu.dma_semaphore, #tpu.memory_space<semaphore_mem>>
          %dma_start3A_34 = arith.constant 0 : i32
          %dma_start3A_35 = tpu.memref_slice %arg3[%mul3A_21, %dma_start3A_34] : memref<2560x128xi32, #tpu.memory_space<hbm>> -> memref<40x128xi32, #tpu.memory_space<hbm>>
          %dma_start3A_36 = arith.constant 0 : i32
          %dma_start3A_37 = tpu.memref_slice %arg3[%mul3A_21, %dma_start3A_36] : memref<2560x128xi32, #tpu.memory_space<hbm>> -> memref<40x128xi32, #tpu.memory_space<hbm>>
          tpu.enqueue_dma source(%dma_start3A_37 : memref<40x128xi32, #tpu.memory_space<hbm>>) target(%arg8 : memref<40x128xi32, #tpu.memory_space<vmem>>) target_semaphore(%run_scoped3A : memref<!tpu.dma_semaphore, #tpu.memory_space<semaphore_mem>>)
          %dma_wait3A = arith.constant 0 : i32
          %dma_wait3A_38 = tpu.memref_slice %arg3[%mul3A_21, %dma_wait3A] : memref<2560x128xi32, #tpu.memory_space<hbm>> -> memref<40x128xi32, #tpu.memory_space<hbm>>
          %dma_wait3A_39 = arith.constant 0 : i32
          %dma_wait3A_40 = tpu.memref_slice %arg3[%mul3A_21, %dma_wait3A_39] : memref<2560x128xi32, #tpu.memory_space<hbm>> -> memref<40x128xi32, #tpu.memory_space<hbm>>
          tpu.wait_dma2 semaphore(%run_scoped3A : memref<!tpu.dma_semaphore, #tpu.memory_space<semaphore_mem>>) src(%dma_wait3A_40 : memref<40x128xi32, #tpu.memory_space<hbm>>) dst(%arg8 : memref<40x128xi32, #tpu.memory_space<vmem>>)
          tpu.yield
        }) : () -> ()
        %dma_start3A = arith.constant 0 : i32
        %dma_start3A_22 = arith.constant 0 : i32
        %dma_start3A_23 = tpu.memref_slice %arg7[%dma_start3A, %dma_start3A_22] : memref<40x128xi32, #tpu.memory_space<vmem>> -> memref<1x128xi32, #tpu.memory_space<vmem>>
        %dma_start3A_24 = tpu.memref_squeeze %dma_start3A_23 : memref<1x128xi32, #tpu.memory_space<vmem>> -> memref<128xi32, #tpu.memory_space<vmem>>
        %dma_start3A_25 = arith.constant 0 : i32
        %dma_start3A_26 = arith.constant 0 : i32
        %dma_start3A_27 = tpu.memref_slice %arg4[%dma_start3A_25, %dma_start3A_26] : memref<10240x128xf32, #tpu.memory_space<hbm>> -> memref<10240x128xf32, #tpu.memory_space<hbm>>
        tpu.enqueue_indirect_dma source(%dma_start3A_27 : memref<10240x128xf32, #tpu.memory_space<hbm>>) target(%arg9 : memref<128x128xf32, #tpu.memory_space<vmem>>) offsets(%dma_start3A_24 : memref<128xi32, #tpu.memory_space<vmem>>) semaphore(%arg12 : memref<!tpu.dma_semaphore, #tpu.memory_space<semaphore_mem>>)
        %scan3A_28 = arith.constant 0 : i32
        %scan3A_29 = arith.constant 0 : i32
        %scan3A_30 = arith.constant 20 : i32
        %scan3A_31 = arith.addi %scan3A_29, %scan3A_30 : i32
        %scan3A_32 = arith.constant 1 : i32
        scf.for %scan3A_34 = %scan3A_29 to %scan3A_31 step %scan3A_32  : i32 {
          %mul3A_35 = arith.constant 2 : i32
          %mul3A_36 = arith.muli %mul3A_35, %scan3A_34 : i32
          %add3A_37 = arith.constant 1 : i32
          %add3A_38 = arith.addi %mul3A_36, %add3A_37 : i32
          %dma_start3A_39 = arith.constant 0 : i32
          %dma_start3A_40 = tpu.memref_slice %arg7[%add3A_38, %dma_start3A_39] : memref<40x128xi32, #tpu.memory_space<vmem>> -> memref<1x128xi32, #tpu.memory_space<vmem>>
          %dma_start3A_41 = tpu.memref_squeeze %dma_start3A_40 : memref<1x128xi32, #tpu.memory_space<vmem>> -> memref<128xi32, #tpu.memory_space<vmem>>
          %dma_start3A_42 = arith.constant 0 : i32
          %dma_start3A_43 = arith.constant 0 : i32
          %dma_start3A_44 = tpu.memref_slice %arg4[%dma_start3A_42, %dma_start3A_43] : memref<10240x128xf32, #tpu.memory_space<hbm>> -> memref<10240x128xf32, #tpu.memory_space<hbm>>
          tpu.enqueue_indirect_dma source(%dma_start3A_44 : memref<10240x128xf32, #tpu.memory_space<hbm>>) target(%arg10 : memref<128x128xf32, #tpu.memory_space<vmem>>) offsets(%dma_start3A_41 : memref<128xi32, #tpu.memory_space<vmem>>) semaphore(%arg13 : memref<!tpu.dma_semaphore, #tpu.memory_space<semaphore_mem>>)
          %dma_wait3A = arith.constant 0 : i32
          %dma_wait3A_45 = tpu.memref_slice %arg7[%mul3A_36, %dma_wait3A] : memref<40x128xi32, #tpu.memory_space<vmem>> -> memref<1x128xi32, #tpu.memory_space<vmem>>
          %dma_wait3A_46 = tpu.memref_squeeze %dma_wait3A_45 : memref<1x128xi32, #tpu.memory_space<vmem>> -> memref<128xi32, #tpu.memory_space<vmem>>
          %dma_wait3A_47 = arith.constant 0 : i32
          %dma_wait3A_48 = arith.constant 0 : i32
          %dma_wait3A_49 = tpu.memref_slice %arg4[%dma_wait3A_47, %dma_wait3A_48] : memref<10240x128xf32, #tpu.memory_space<hbm>> -> memref<10240x128xf32, #tpu.memory_space<hbm>>
          tpu.wait_indirect_dma semaphore(%arg12 : memref<!tpu.dma_semaphore, #tpu.memory_space<semaphore_mem>>) src(%dma_wait3A_49 : memref<10240x128xf32, #tpu.memory_space<hbm>>) dst(%arg9 : memref<128x128xf32, #tpu.memory_space<vmem>>)
          "tpu.region"() ({
            %run_scoped3A = tpu.sem_alloc : memref<!tpu.dma_semaphore, #tpu.memory_space<semaphore_mem>>
            %dma_start3A_61 = arith.constant 0 : i32
            %dma_start3A_62 = tpu.memref_slice %arg8[%mul3A_36, %dma_start3A_61] : memref<40x128xi32, #tpu.memory_space<vmem>> -> memref<1x128xi32, #tpu.memory_space<vmem>>
            %dma_start3A_63 = tpu.memref_squeeze %dma_start3A_62 : memref<1x128xi32, #tpu.memory_space<vmem>> -> memref<128xi32, #tpu.memory_space<vmem>>
            %dma_start3A_64 = arith.constant 0 : i32
            %dma_start3A_65 = arith.constant 0 : i32
            %dma_start3A_66 = tpu.memref_slice %arg11[%dma_start3A_64, %dma_start3A_65] : memref<10240x128xf32, #tpu.memory_space<vmem_shared>> -> memref<10240x128xf32, #tpu.memory_space<vmem_shared>>
            tpu.enqueue_indirect_dma source(%arg9 : memref<128x128xf32, #tpu.memory_space<vmem>>) target(%dma_start3A_66 : memref<10240x128xf32, #tpu.memory_space<vmem_shared>>) offsets(%dma_start3A_63 : memref<128xi32, #tpu.memory_space<vmem>>) semaphore(%run_scoped3A : memref<!tpu.dma_semaphore, #tpu.memory_space<semaphore_mem>>) {add = true}
            %dma_wait3A_67 = arith.constant 0 : i32
            %dma_wait3A_68 = tpu.memref_slice %arg8[%mul3A_36, %dma_wait3A_67] : memref<40x128xi32, #tpu.memory_space<vmem>> -> memref<1x128xi32, #tpu.memory_space<vmem>>
            %dma_wait3A_69 = tpu.memref_squeeze %dma_wait3A_68 : memref<1x128xi32, #tpu.memory_space<vmem>> -> memref<128xi32, #tpu.memory_space<vmem>>
            %dma_wait3A_70 = arith.constant 0 : i32
            %dma_wait3A_71 = arith.constant 0 : i32
            %dma_wait3A_72 = tpu.memref_slice %arg11[%dma_wait3A_70, %dma_wait3A_71] : memref<10240x128xf32, #tpu.memory_space<vmem_shared>> -> memref<10240x128xf32, #tpu.memory_space<vmem_shared>>
            tpu.wait_indirect_dma semaphore(%run_scoped3A : memref<!tpu.dma_semaphore, #tpu.memory_space<semaphore_mem>>) src(%arg9 : memref<128x128xf32, #tpu.memory_space<vmem>>) dst(%dma_wait3A_72 : memref<10240x128xf32, #tpu.memory_space<vmem_shared>>)
            tpu.yield
          }) : () -> ()
          %lt3A_50 = arith.constant 19 : i32
          %lt3A_51 = arith.cmpi slt, %scan3A_34, %lt3A_50 : i32
          %convert_element_type3A_52 = arith.extui %lt3A_51 : i1 to i32
          %cond3A_53 = arith.constant 0 : i32
          %cond3A_54 = arith.cmpi ne, %convert_element_type3A_52, %cond3A_53 : i32
          scf.if %cond3A_54 {
            %add3A_61 = arith.constant 1 : i32
            %add3A_62 = arith.addi %add3A_38, %add3A_61 : i32
            %dma_start3A_63 = arith.constant 0 : i32
            %dma_start3A_64 = tpu.memref_slice %arg7[%add3A_62, %dma_start3A_63] : memref<40x128xi32, #tpu.memory_space<vmem>> -> memref<1x128xi32, #tpu.memory_space<vmem>>
            %dma_start3A_65 = tpu.memref_squeeze %dma_start3A_64 : memref<1x128xi32, #tpu.memory_space<vmem>> -> memref<128xi32, #tpu.memory_space<vmem>>
            %dma_start3A_66 = arith.constant 0 : i32
            %dma_start3A_67 = arith.constant 0 : i32
            %dma_start3A_68 = tpu.memref_slice %arg4[%dma_start3A_66, %dma_start3A_67] : memref<10240x128xf32, #tpu.memory_space<hbm>> -> memref<10240x128xf32, #tpu.memory_space<hbm>>
            tpu.enqueue_indirect_dma source(%dma_start3A_68 : memref<10240x128xf32, #tpu.memory_space<hbm>>) target(%arg9 : memref<128x128xf32, #tpu.memory_space<vmem>>) offsets(%dma_start3A_65 : memref<128xi32, #tpu.memory_space<vmem>>) semaphore(%arg12 : memref<!tpu.dma_semaphore, #tpu.memory_space<semaphore_mem>>)
          } else {
          }
          %dma_wait3A_55 = arith.constant 0 : i32
          %dma_wait3A_56 = tpu.memref_slice %arg7[%add3A_38, %dma_wait3A_55] : memref<40x128xi32, #tpu.memory_space<vmem>> -> memref<1x128xi32, #tpu.memory_space<vmem>>
          %dma_wait3A_57 = tpu.memref_squeeze %dma_wait3A_56 : memref<1x128xi32, #tpu.memory_space<vmem>> -> memref<128xi32, #tpu.memory_space<vmem>>
          %dma_wait3A_58 = arith.constant 0 : i32
          %dma_wait3A_59 = arith.constant 0 : i32
          %dma_wait3A_60 = tpu.memref_slice %arg4[%dma_wait3A_58, %dma_wait3A_59] : memref<10240x128xf32, #tpu.memory_space<hbm>> -> memref<10240x128xf32, #tpu.memory_space<hbm>>
          tpu.wait_indirect_dma semaphore(%arg13 : memref<!tpu.dma_semaphore, #tpu.memory_space<semaphore_mem>>) src(%dma_wait3A_60 : memref<10240x128xf32, #tpu.memory_space<hbm>>) dst(%arg10 : memref<128x128xf32, #tpu.memory_space<vmem>>)
          "tpu.region"() ({
            %run_scoped3A = tpu.sem_alloc : memref<!tpu.dma_semaphore, #tpu.memory_space<semaphore_mem>>
            %dma_start3A_61 = arith.constant 0 : i32
            %dma_start3A_62 = tpu.memref_slice %arg8[%add3A_38, %dma_start3A_61] : memref<40x128xi32, #tpu.memory_space<vmem>> -> memref<1x128xi32, #tpu.memory_space<vmem>>
            %dma_start3A_63 = tpu.memref_squeeze %dma_start3A_62 : memref<1x128xi32, #tpu.memory_space<vmem>> -> memref<128xi32, #tpu.memory_space<vmem>>
            %dma_start3A_64 = arith.constant 0 : i32
            %dma_start3A_65 = arith.constant 0 : i32
            %dma_start3A_66 = tpu.memref_slice %arg11[%dma_start3A_64, %dma_start3A_65] : memref<10240x128xf32, #tpu.memory_space<vmem_shared>> -> memref<10240x128xf32, #tpu.memory_space<vmem_shared>>
            tpu.enqueue_indirect_dma source(%arg10 : memref<128x128xf32, #tpu.memory_space<vmem>>) target(%dma_start3A_66 : memref<10240x128xf32, #tpu.memory_space<vmem_shared>>) offsets(%dma_start3A_63 : memref<128xi32, #tpu.memory_space<vmem>>) semaphore(%run_scoped3A : memref<!tpu.dma_semaphore, #tpu.memory_space<semaphore_mem>>) {add = true}
            %dma_wait3A_67 = arith.constant 0 : i32
            %dma_wait3A_68 = tpu.memref_slice %arg8[%add3A_38, %dma_wait3A_67] : memref<40x128xi32, #tpu.memory_space<vmem>> -> memref<1x128xi32, #tpu.memory_space<vmem>>
            %dma_wait3A_69 = tpu.memref_squeeze %dma_wait3A_68 : memref<1x128xi32, #tpu.memory_space<vmem>> -> memref<128xi32, #tpu.memory_space<vmem>>
            %dma_wait3A_70 = arith.constant 0 : i32
            %dma_wait3A_71 = arith.constant 0 : i32
            %dma_wait3A_72 = tpu.memref_slice %arg11[%dma_wait3A_70, %dma_wait3A_71] : memref<10240x128xf32, #tpu.memory_space<vmem_shared>> -> memref<10240x128xf32, #tpu.memory_space<vmem_shared>>
            tpu.wait_indirect_dma semaphore(%run_scoped3A : memref<!tpu.dma_semaphore, #tpu.memory_space<semaphore_mem>>) src(%arg10 : memref<128x128xf32, #tpu.memory_space<vmem>>) dst(%dma_wait3A_72 : memref<10240x128xf32, #tpu.memory_space<vmem_shared>>)
            tpu.yield
          }) : () -> ()
        }
        %scan3A_33 = arith.constant 20 : i32
      } else {
      }
    }
    %scan3A_15 = arith.constant 2 : i32
    %barrier3A_16 = arith.constant 0 : index
    tpu.barrier barrier_id(%barrier3A_16)
    "tpu.region"() ({
      %run_scoped3A = tpu.sem_alloc : memref<!tpu.dma_semaphore, #tpu.memory_space<semaphore_mem>>
      %dma_start3A = arith.constant 0 : i32
      %dma_start3A_17 = tpu.memref_slice %arg6[%arg0, %mul3A_0, %dma_start3A] : memref<2x10240x128xf32, #tpu.memory_space<hbm>> -> memref<1x640x128xf32, #tpu.memory_space<hbm>>
      %dma_start3A_18 = tpu.memref_squeeze %dma_start3A_17 : memref<1x640x128xf32, #tpu.memory_space<hbm>> -> memref<640x128xf32, #tpu.memory_space<hbm>>
      %dma_start3A_19 = arith.constant 0 : i32
      %dma_start3A_20 = tpu.memref_slice %arg11[%mul3A_0, %dma_start3A_19] : memref<10240x128xf32, #tpu.memory_space<vmem_shared>> -> memref<640x128xf32, #tpu.memory_space<vmem_shared>>
      tpu.enqueue_dma source(%dma_start3A_20 : memref<640x128xf32, #tpu.memory_space<vmem_shared>>) target(%dma_start3A_18 : memref<640x128xf32, #tpu.memory_space<hbm>>) target_semaphore(%run_scoped3A : memref<!tpu.dma_semaphore, #tpu.memory_space<semaphore_mem>>)
      %dma_wait3A = arith.constant 0 : i32
      %dma_wait3A_21 = tpu.memref_slice %arg6[%arg0, %mul3A_0, %dma_wait3A] : memref<2x10240x128xf32, #tpu.memory_space<hbm>> -> memref<1x640x128xf32, #tpu.memory_space<hbm>>
      %dma_wait3A_22 = tpu.memref_squeeze %dma_wait3A_21 : memref<1x640x128xf32, #tpu.memory_space<hbm>> -> memref<640x128xf32, #tpu.memory_space<hbm>>
      %dma_wait3A_23 = arith.constant 0 : i32
      %dma_wait3A_24 = tpu.memref_slice %arg11[%mul3A_0, %dma_wait3A_23] : memref<10240x128xf32, #tpu.memory_space<vmem_shared>> -> memref<640x128xf32, #tpu.memory_space<vmem_shared>>
      tpu.wait_dma2 semaphore(%run_scoped3A : memref<!tpu.dma_semaphore, #tpu.memory_space<semaphore_mem>>) src(%dma_wait3A_24 : memref<640x128xf32, #tpu.memory_space<vmem_shared>>) dst(%dma_wait3A_22 : memref<640x128xf32, #tpu.memory_space<hbm>>)
      tpu.yield
    }) : () -> ()
    return
  }
}

#map = affine_map<(d0, d1) -> (0, 0)>
#map1 = affine_map<(d0, d1) -> (0, 0, 0)>
module attributes {stable_mosaic.version = 14 : i64} {
  func.func @_deg_body(%arg0: i32, %arg1: i32, %arg2: memref<2560x128xi32, #tpu.memory_space<hbm>>, %arg3: memref<128x128xf32, #tpu.memory_space<hbm>>, %arg4: memref<10240x128xf32, #tpu.memory_space<hbm>>, %arg5: memref<2x10240x128xf32, #tpu.memory_space<hbm>>, %arg6: memref<80x128xi32, #tpu.memory_space<vmem>>, %arg7: memref<128x128xf32, #tpu.memory_space<vmem>>, %arg8: memref<10240x128xf32, #tpu.memory_space<vmem_shared>>) attributes {dimension_semantics = [#tpu.dimension_semantics<core_parallel>, #tpu.dimension_semantics<subcore_parallel>], iteration_bounds = array<i64: 2, 16>, scalar_prefetch = 0 : i64, scratch_operands = 3 : i64, tpu.core_type = #tpu.core_type<sc_vector_subcore>, window_params = [{transform_indices = #map}, {transform_indices = #map}, {transform_indices = #map}, {transform_indices = #map1}]} {
    %mul3A = arith.constant 16 : i32
    %mul3A_0 = arith.muli %arg0, %mul3A : i32
    %add3A = arith.addi %mul3A_0, %arg1 : i32
    %mul3A_1 = arith.constant 640 : i32
    %mul3A_2 = arith.muli %arg1, %mul3A_1 : i32
    "tpu.region"() ({
      %run_scoped3A = tpu.sem_alloc : memref<!tpu.dma_semaphore, #tpu.memory_space<semaphore_mem>>
      %dma_start3A = arith.constant 0 : i32
      %dma_start3A_11 = tpu.memref_slice %arg8[%mul3A_2, %dma_start3A] : memref<10240x128xf32, #tpu.memory_space<vmem_shared>> -> memref<640x128xf32, #tpu.memory_space<vmem_shared>>
      %dma_start3A_12 = arith.constant 0 : i32
      %dma_start3A_13 = tpu.memref_slice %arg4[%mul3A_2, %dma_start3A_12] : memref<10240x128xf32, #tpu.memory_space<hbm>> -> memref<640x128xf32, #tpu.memory_space<hbm>>
      tpu.enqueue_dma source(%dma_start3A_13 : memref<640x128xf32, #tpu.memory_space<hbm>>) target(%dma_start3A_11 : memref<640x128xf32, #tpu.memory_space<vmem_shared>>) target_semaphore(%run_scoped3A : memref<!tpu.dma_semaphore, #tpu.memory_space<semaphore_mem>>)
      %dma_wait3A = arith.constant 0 : i32
      %dma_wait3A_14 = tpu.memref_slice %arg8[%mul3A_2, %dma_wait3A] : memref<10240x128xf32, #tpu.memory_space<vmem_shared>> -> memref<640x128xf32, #tpu.memory_space<vmem_shared>>
      %dma_wait3A_15 = arith.constant 0 : i32
      %dma_wait3A_16 = tpu.memref_slice %arg4[%mul3A_2, %dma_wait3A_15] : memref<10240x128xf32, #tpu.memory_space<hbm>> -> memref<640x128xf32, #tpu.memory_space<hbm>>
      tpu.wait_dma2 semaphore(%run_scoped3A : memref<!tpu.dma_semaphore, #tpu.memory_space<semaphore_mem>>) src(%dma_wait3A_16 : memref<640x128xf32, #tpu.memory_space<hbm>>) dst(%dma_wait3A_14 : memref<640x128xf32, #tpu.memory_space<vmem_shared>>)
      tpu.yield
    }) : () -> ()
    "tpu.region"() ({
      %run_scoped3A = tpu.sem_alloc : memref<!tpu.dma_semaphore, #tpu.memory_space<semaphore_mem>>
      tpu.enqueue_dma source(%arg3 : memref<128x128xf32, #tpu.memory_space<hbm>>) target(%arg7 : memref<128x128xf32, #tpu.memory_space<vmem>>) target_semaphore(%run_scoped3A : memref<!tpu.dma_semaphore, #tpu.memory_space<semaphore_mem>>)
      tpu.wait_dma2 semaphore(%run_scoped3A : memref<!tpu.dma_semaphore, #tpu.memory_space<semaphore_mem>>) src(%arg3 : memref<128x128xf32, #tpu.memory_space<hbm>>) dst(%arg7 : memref<128x128xf32, #tpu.memory_space<vmem>>)
      tpu.yield
    }) : () -> ()
    %mul3A_3 = arith.constant 80 : i32
    %mul3A_4 = arith.muli %add3A, %mul3A_3 : i32
    "tpu.region"() ({
      %run_scoped3A = tpu.sem_alloc : memref<!tpu.dma_semaphore, #tpu.memory_space<semaphore_mem>>
      %dma_start3A = arith.constant 0 : i32
      %dma_start3A_11 = tpu.memref_slice %arg2[%mul3A_4, %dma_start3A] : memref<2560x128xi32, #tpu.memory_space<hbm>> -> memref<80x128xi32, #tpu.memory_space<hbm>>
      %dma_start3A_12 = arith.constant 0 : i32
      %dma_start3A_13 = tpu.memref_slice %arg2[%mul3A_4, %dma_start3A_12] : memref<2560x128xi32, #tpu.memory_space<hbm>> -> memref<80x128xi32, #tpu.memory_space<hbm>>
      tpu.enqueue_dma source(%dma_start3A_13 : memref<80x128xi32, #tpu.memory_space<hbm>>) target(%arg6 : memref<80x128xi32, #tpu.memory_space<vmem>>) target_semaphore(%run_scoped3A : memref<!tpu.dma_semaphore, #tpu.memory_space<semaphore_mem>>)
      %dma_wait3A = arith.constant 0 : i32
      %dma_wait3A_14 = tpu.memref_slice %arg2[%mul3A_4, %dma_wait3A] : memref<2560x128xi32, #tpu.memory_space<hbm>> -> memref<80x128xi32, #tpu.memory_space<hbm>>
      %dma_wait3A_15 = arith.constant 0 : i32
      %dma_wait3A_16 = tpu.memref_slice %arg2[%mul3A_4, %dma_wait3A_15] : memref<2560x128xi32, #tpu.memory_space<hbm>> -> memref<80x128xi32, #tpu.memory_space<hbm>>
      tpu.wait_dma2 semaphore(%run_scoped3A : memref<!tpu.dma_semaphore, #tpu.memory_space<semaphore_mem>>) src(%dma_wait3A_16 : memref<80x128xi32, #tpu.memory_space<hbm>>) dst(%arg6 : memref<80x128xi32, #tpu.memory_space<vmem>>)
      tpu.yield
    }) : () -> ()
    %barrier3A = arith.constant 0 : index
    tpu.barrier barrier_id(%barrier3A)
    %scan3A = arith.constant 0 : i32
    %scan3A_5 = arith.constant 0 : i32
    %scan3A_6 = arith.constant 80 : i32
    %scan3A_7 = arith.addi %scan3A_5, %scan3A_6 : i32
    %scan3A_8 = arith.constant 1 : i32
    scf.for %scan3A_11 = %scan3A_5 to %scan3A_7 step %scan3A_8  : i32 {
      "tpu.region"() ({
        %run_scoped3A = tpu.sem_alloc : memref<!tpu.dma_semaphore, #tpu.memory_space<semaphore_mem>>
        %dma_start3A = arith.constant 0 : i32
        %dma_start3A_12 = tpu.memref_slice %arg6[%scan3A_11, %dma_start3A] : memref<80x128xi32, #tpu.memory_space<vmem>> -> memref<1x128xi32, #tpu.memory_space<vmem>>
        %dma_start3A_13 = tpu.memref_squeeze %dma_start3A_12 : memref<1x128xi32, #tpu.memory_space<vmem>> -> memref<128xi32, #tpu.memory_space<vmem>>
        %dma_start3A_14 = arith.constant 0 : i32
        %dma_start3A_15 = arith.constant 0 : i32
        %dma_start3A_16 = tpu.memref_slice %arg8[%dma_start3A_14, %dma_start3A_15] : memref<10240x128xf32, #tpu.memory_space<vmem_shared>> -> memref<10240x128xf32, #tpu.memory_space<vmem_shared>>
        tpu.enqueue_indirect_dma source(%arg7 : memref<128x128xf32, #tpu.memory_space<vmem>>) target(%dma_start3A_16 : memref<10240x128xf32, #tpu.memory_space<vmem_shared>>) offsets(%dma_start3A_13 : memref<128xi32, #tpu.memory_space<vmem>>) semaphore(%run_scoped3A : memref<!tpu.dma_semaphore, #tpu.memory_space<semaphore_mem>>) {add = true}
        %dma_wait3A = arith.constant 0 : i32
        %dma_wait3A_17 = tpu.memref_slice %arg6[%scan3A_11, %dma_wait3A] : memref<80x128xi32, #tpu.memory_space<vmem>> -> memref<1x128xi32, #tpu.memory_space<vmem>>
        %dma_wait3A_18 = tpu.memref_squeeze %dma_wait3A_17 : memref<1x128xi32, #tpu.memory_space<vmem>> -> memref<128xi32, #tpu.memory_space<vmem>>
        %dma_wait3A_19 = arith.constant 0 : i32
        %dma_wait3A_20 = arith.constant 0 : i32
        %dma_wait3A_21 = tpu.memref_slice %arg8[%dma_wait3A_19, %dma_wait3A_20] : memref<10240x128xf32, #tpu.memory_space<vmem_shared>> -> memref<10240x128xf32, #tpu.memory_space<vmem_shared>>
        tpu.wait_indirect_dma semaphore(%run_scoped3A : memref<!tpu.dma_semaphore, #tpu.memory_space<semaphore_mem>>) src(%arg7 : memref<128x128xf32, #tpu.memory_space<vmem>>) dst(%dma_wait3A_21 : memref<10240x128xf32, #tpu.memory_space<vmem_shared>>)
        tpu.yield
      }) : () -> ()
    }
    %scan3A_9 = arith.constant 80 : i32
    %barrier3A_10 = arith.constant 0 : index
    tpu.barrier barrier_id(%barrier3A_10)
    "tpu.region"() ({
      %run_scoped3A = tpu.sem_alloc : memref<!tpu.dma_semaphore, #tpu.memory_space<semaphore_mem>>
      %dma_start3A = arith.constant 0 : i32
      %dma_start3A_11 = tpu.memref_slice %arg5[%arg0, %mul3A_2, %dma_start3A] : memref<2x10240x128xf32, #tpu.memory_space<hbm>> -> memref<1x640x128xf32, #tpu.memory_space<hbm>>
      %dma_start3A_12 = tpu.memref_squeeze %dma_start3A_11 : memref<1x640x128xf32, #tpu.memory_space<hbm>> -> memref<640x128xf32, #tpu.memory_space<hbm>>
      %dma_start3A_13 = arith.constant 0 : i32
      %dma_start3A_14 = tpu.memref_slice %arg8[%mul3A_2, %dma_start3A_13] : memref<10240x128xf32, #tpu.memory_space<vmem_shared>> -> memref<640x128xf32, #tpu.memory_space<vmem_shared>>
      tpu.enqueue_dma source(%dma_start3A_14 : memref<640x128xf32, #tpu.memory_space<vmem_shared>>) target(%dma_start3A_12 : memref<640x128xf32, #tpu.memory_space<hbm>>) target_semaphore(%run_scoped3A : memref<!tpu.dma_semaphore, #tpu.memory_space<semaphore_mem>>)
      %dma_wait3A = arith.constant 0 : i32
      %dma_wait3A_15 = tpu.memref_slice %arg5[%arg0, %mul3A_2, %dma_wait3A] : memref<2x10240x128xf32, #tpu.memory_space<hbm>> -> memref<1x640x128xf32, #tpu.memory_space<hbm>>
      %dma_wait3A_16 = tpu.memref_squeeze %dma_wait3A_15 : memref<1x640x128xf32, #tpu.memory_space<hbm>> -> memref<640x128xf32, #tpu.memory_space<hbm>>
      %dma_wait3A_17 = arith.constant 0 : i32
      %dma_wait3A_18 = tpu.memref_slice %arg8[%mul3A_2, %dma_wait3A_17] : memref<10240x128xf32, #tpu.memory_space<vmem_shared>> -> memref<640x128xf32, #tpu.memory_space<vmem_shared>>
      tpu.wait_dma2 semaphore(%run_scoped3A : memref<!tpu.dma_semaphore, #tpu.memory_space<semaphore_mem>>) src(%dma_wait3A_18 : memref<640x128xf32, #tpu.memory_space<vmem_shared>>) dst(%dma_wait3A_16 : memref<640x128xf32, #tpu.memory_space<hbm>>)
      tpu.yield
    }) : () -> ()
    return
  }
}

#map = affine_map<(d0, d1) -> (0, 0)>
#map1 = affine_map<(d0, d1) -> (0, 0, 0)>
module attributes {stable_mosaic.version = 14 : i64} {
  func.func @_agg_body(%arg0: i32, %arg1: i32, %arg2: memref<2560x128xi32, #tpu.memory_space<hbm>>, %arg3: memref<2560x128xi32, #tpu.memory_space<hbm>>, %arg4: memref<10240x128xf32, #tpu.memory_space<hbm>>, %arg5: memref<10240x128xf32, #tpu.memory_space<hbm>>, %arg6: memref<2x10240x128xf32, #tpu.memory_space<hbm>>, %arg7: memref<40x128xi32, #tpu.memory_space<vmem>>, %arg8: memref<40x128xi32, #tpu.memory_space<vmem>>, %arg9: memref<128x128xf32, #tpu.memory_space<vmem>>, %arg10: memref<128x128xf32, #tpu.memory_space<vmem>>, %arg11: memref<10240x128xf32, #tpu.memory_space<vmem_shared>>, %arg12: memref<!tpu.dma_semaphore, #tpu.memory_space<semaphore_mem>>, %arg13: memref<!tpu.dma_semaphore, #tpu.memory_space<semaphore_mem>>) attributes {dimension_semantics = [#tpu.dimension_semantics<core_parallel>, #tpu.dimension_semantics<subcore_parallel>], iteration_bounds = array<i64: 2, 16>, scalar_prefetch = 0 : i64, scratch_operands = 7 : i64, tpu.core_type = #tpu.core_type<sc_vector_subcore>, window_params = [{transform_indices = #map}, {transform_indices = #map}, {transform_indices = #map}, {transform_indices = #map}, {transform_indices = #map1}]} {
    %mul3A = arith.constant 640 : i32
    %mul3A_0 = arith.muli %arg1, %mul3A : i32
    "tpu.region"() ({
      %run_scoped3A = tpu.sem_alloc : memref<!tpu.dma_semaphore, #tpu.memory_space<semaphore_mem>>
      %dma_start3A = arith.constant 0 : i32
      %dma_start3A_17 = tpu.memref_slice %arg11[%mul3A_0, %dma_start3A] : memref<10240x128xf32, #tpu.memory_space<vmem_shared>> -> memref<640x128xf32, #tpu.memory_space<vmem_shared>>
      %dma_start3A_18 = arith.constant 0 : i32
      %dma_start3A_19 = tpu.memref_slice %arg5[%mul3A_0, %dma_start3A_18] : memref<10240x128xf32, #tpu.memory_space<hbm>> -> memref<640x128xf32, #tpu.memory_space<hbm>>
      tpu.enqueue_dma source(%dma_start3A_19 : memref<640x128xf32, #tpu.memory_space<hbm>>) target(%dma_start3A_17 : memref<640x128xf32, #tpu.memory_space<vmem_shared>>) target_semaphore(%run_scoped3A : memref<!tpu.dma_semaphore, #tpu.memory_space<semaphore_mem>>)
      %dma_wait3A = arith.constant 0 : i32
      %dma_wait3A_20 = tpu.memref_slice %arg11[%mul3A_0, %dma_wait3A] : memref<10240x128xf32, #tpu.memory_space<vmem_shared>> -> memref<640x128xf32, #tpu.memory_space<vmem_shared>>
      %dma_wait3A_21 = arith.constant 0 : i32
      %dma_wait3A_22 = tpu.memref_slice %arg5[%mul3A_0, %dma_wait3A_21] : memref<10240x128xf32, #tpu.memory_space<hbm>> -> memref<640x128xf32, #tpu.memory_space<hbm>>
      tpu.wait_dma2 semaphore(%run_scoped3A : memref<!tpu.dma_semaphore, #tpu.memory_space<semaphore_mem>>) src(%dma_wait3A_22 : memref<640x128xf32, #tpu.memory_space<hbm>>) dst(%dma_wait3A_20 : memref<640x128xf32, #tpu.memory_space<vmem_shared>>)
      tpu.yield
    }) : () -> ()
    %barrier3A = arith.constant 0 : index
    tpu.barrier barrier_id(%barrier3A)
    %eq3A = arith.constant 0 : i32
    %eq3A_1 = arith.cmpi eq, %arg0, %eq3A : i32
    %jit3A = arith.constant 2 : i32
    %jit3A_2 = arith.constant 2 : i32
    %select_n3A = arith.select %eq3A_1, %jit3A, %jit3A_2 : i32
    %eq3A_3 = arith.constant 0 : i32
    %eq3A_4 = arith.cmpi eq, %arg0, %eq3A_3 : i32
    %mul3A_5 = arith.constant 2 : i32
    %mul3A_6 = arith.muli %arg1, %mul3A_5 : i32
    %mul3A_7 = arith.constant 2 : i32
    %mul3A_8 = arith.muli %arg1, %mul3A_7 : i32
    %add3A = arith.constant 32 : i32
    %add3A_9 = arith.addi %add3A, %mul3A_8 : i32
    %select_n3A_10 = arith.select %eq3A_4, %mul3A_6, %add3A_9 : i32
    %scan3A = arith.constant 0 : i32
    %scan3A_11 = arith.constant 0 : i32
    %scan3A_12 = arith.constant 2 : i32
    %scan3A_13 = arith.addi %scan3A_11, %scan3A_12 : i32
    %scan3A_14 = arith.constant 1 : i32
    scf.for %scan3A_17 = %scan3A_11 to %scan3A_13 step %scan3A_14  : i32 {
      %lt3A = arith.cmpi slt, %scan3A_17, %select_n3A : i32
      %convert_element_type3A = arith.extui %lt3A : i1 to i32
      %cond3A = arith.constant 0 : i32
      %cond3A_18 = arith.cmpi ne, %convert_element_type3A, %cond3A : i32
      scf.if %cond3A_18 {
        %add3A_19 = arith.addi %select_n3A_10, %scan3A_17 : i32
        %mul3A_20 = arith.constant 40 : i32
        %mul3A_21 = arith.muli %add3A_19, %mul3A_20 : i32
        "tpu.region"() ({
          %run_scoped3A = tpu.sem_alloc : memref<!tpu.dma_semaphore, #tpu.memory_space<semaphore_mem>>
          %dma_start3A_34 = arith.constant 0 : i32
          %dma_start3A_35 = tpu.memref_slice %arg2[%mul3A_21, %dma_start3A_34] : memref<2560x128xi32, #tpu.memory_space<hbm>> -> memref<40x128xi32, #tpu.memory_space<hbm>>
          %dma_start3A_36 = arith.constant 0 : i32
          %dma_start3A_37 = tpu.memref_slice %arg2[%mul3A_21, %dma_start3A_36] : memref<2560x128xi32, #tpu.memory_space<hbm>> -> memref<40x128xi32, #tpu.memory_space<hbm>>
          tpu.enqueue_dma source(%dma_start3A_37 : memref<40x128xi32, #tpu.memory_space<hbm>>) target(%arg7 : memref<40x128xi32, #tpu.memory_space<vmem>>) target_semaphore(%run_scoped3A : memref<!tpu.dma_semaphore, #tpu.memory_space<semaphore_mem>>)
          %dma_wait3A = arith.constant 0 : i32
          %dma_wait3A_38 = tpu.memref_slice %arg2[%mul3A_21, %dma_wait3A] : memref<2560x128xi32, #tpu.memory_space<hbm>> -> memref<40x128xi32, #tpu.memory_space<hbm>>
          %dma_wait3A_39 = arith.constant 0 : i32
          %dma_wait3A_40 = tpu.memref_slice %arg2[%mul3A_21, %dma_wait3A_39] : memref<2560x128xi32, #tpu.memory_space<hbm>> -> memref<40x128xi32, #tpu.memory_space<hbm>>
          tpu.wait_dma2 semaphore(%run_scoped3A : memref<!tpu.dma_semaphore, #tpu.memory_space<semaphore_mem>>) src(%dma_wait3A_40 : memref<40x128xi32, #tpu.memory_space<hbm>>) dst(%arg7 : memref<40x128xi32, #tpu.memory_space<vmem>>)
          tpu.yield
        }) : () -> ()
        "tpu.region"() ({
          %run_scoped3A = tpu.sem_alloc : memref<!tpu.dma_semaphore, #tpu.memory_space<semaphore_mem>>
          %dma_start3A_34 = arith.constant 0 : i32
          %dma_start3A_35 = tpu.memref_slice %arg3[%mul3A_21, %dma_start3A_34] : memref<2560x128xi32, #tpu.memory_space<hbm>> -> memref<40x128xi32, #tpu.memory_space<hbm>>
          %dma_start3A_36 = arith.constant 0 : i32
          %dma_start3A_37 = tpu.memref_slice %arg3[%mul3A_21, %dma_start3A_36] : memref<2560x128xi32, #tpu.memory_space<hbm>> -> memref<40x128xi32, #tpu.memory_space<hbm>>
          tpu.enqueue_dma source(%dma_start3A_37 : memref<40x128xi32, #tpu.memory_space<hbm>>) target(%arg8 : memref<40x128xi32, #tpu.memory_space<vmem>>) target_semaphore(%run_scoped3A : memref<!tpu.dma_semaphore, #tpu.memory_space<semaphore_mem>>)
          %dma_wait3A = arith.constant 0 : i32
          %dma_wait3A_38 = tpu.memref_slice %arg3[%mul3A_21, %dma_wait3A] : memref<2560x128xi32, #tpu.memory_space<hbm>> -> memref<40x128xi32, #tpu.memory_space<hbm>>
          %dma_wait3A_39 = arith.constant 0 : i32
          %dma_wait3A_40 = tpu.memref_slice %arg3[%mul3A_21, %dma_wait3A_39] : memref<2560x128xi32, #tpu.memory_space<hbm>> -> memref<40x128xi32, #tpu.memory_space<hbm>>
          tpu.wait_dma2 semaphore(%run_scoped3A : memref<!tpu.dma_semaphore, #tpu.memory_space<semaphore_mem>>) src(%dma_wait3A_40 : memref<40x128xi32, #tpu.memory_space<hbm>>) dst(%arg8 : memref<40x128xi32, #tpu.memory_space<vmem>>)
          tpu.yield
        }) : () -> ()
        %dma_start3A = arith.constant 0 : i32
        %dma_start3A_22 = arith.constant 0 : i32
        %dma_start3A_23 = tpu.memref_slice %arg7[%dma_start3A, %dma_start3A_22] : memref<40x128xi32, #tpu.memory_space<vmem>> -> memref<1x128xi32, #tpu.memory_space<vmem>>
        %dma_start3A_24 = tpu.memref_squeeze %dma_start3A_23 : memref<1x128xi32, #tpu.memory_space<vmem>> -> memref<128xi32, #tpu.memory_space<vmem>>
        %dma_start3A_25 = arith.constant 0 : i32
        %dma_start3A_26 = arith.constant 0 : i32
        %dma_start3A_27 = tpu.memref_slice %arg4[%dma_start3A_25, %dma_start3A_26] : memref<10240x128xf32, #tpu.memory_space<hbm>> -> memref<10240x128xf32, #tpu.memory_space<hbm>>
        tpu.enqueue_indirect_dma source(%dma_start3A_27 : memref<10240x128xf32, #tpu.memory_space<hbm>>) target(%arg9 : memref<128x128xf32, #tpu.memory_space<vmem>>) offsets(%dma_start3A_24 : memref<128xi32, #tpu.memory_space<vmem>>) semaphore(%arg12 : memref<!tpu.dma_semaphore, #tpu.memory_space<semaphore_mem>>)
        %scan3A_28 = arith.constant 0 : i32
        %scan3A_29 = arith.constant 0 : i32
        %scan3A_30 = arith.constant 20 : i32
        %scan3A_31 = arith.addi %scan3A_29, %scan3A_30 : i32
        %scan3A_32 = arith.constant 1 : i32
        scf.for %scan3A_34 = %scan3A_29 to %scan3A_31 step %scan3A_32  : i32 {
          %mul3A_35 = arith.constant 2 : i32
          %mul3A_36 = arith.muli %mul3A_35, %scan3A_34 : i32
          %add3A_37 = arith.constant 1 : i32
          %add3A_38 = arith.addi %mul3A_36, %add3A_37 : i32
          %dma_start3A_39 = arith.constant 0 : i32
          %dma_start3A_40 = tpu.memref_slice %arg7[%add3A_38, %dma_start3A_39] : memref<40x128xi32, #tpu.memory_space<vmem>> -> memref<1x128xi32, #tpu.memory_space<vmem>>
          %dma_start3A_41 = tpu.memref_squeeze %dma_start3A_40 : memref<1x128xi32, #tpu.memory_space<vmem>> -> memref<128xi32, #tpu.memory_space<vmem>>
          %dma_start3A_42 = arith.constant 0 : i32
          %dma_start3A_43 = arith.constant 0 : i32
          %dma_start3A_44 = tpu.memref_slice %arg4[%dma_start3A_42, %dma_start3A_43] : memref<10240x128xf32, #tpu.memory_space<hbm>> -> memref<10240x128xf32, #tpu.memory_space<hbm>>
          tpu.enqueue_indirect_dma source(%dma_start3A_44 : memref<10240x128xf32, #tpu.memory_space<hbm>>) target(%arg10 : memref<128x128xf32, #tpu.memory_space<vmem>>) offsets(%dma_start3A_41 : memref<128xi32, #tpu.memory_space<vmem>>) semaphore(%arg13 : memref<!tpu.dma_semaphore, #tpu.memory_space<semaphore_mem>>)
          %dma_wait3A = arith.constant 0 : i32
          %dma_wait3A_45 = tpu.memref_slice %arg7[%mul3A_36, %dma_wait3A] : memref<40x128xi32, #tpu.memory_space<vmem>> -> memref<1x128xi32, #tpu.memory_space<vmem>>
          %dma_wait3A_46 = tpu.memref_squeeze %dma_wait3A_45 : memref<1x128xi32, #tpu.memory_space<vmem>> -> memref<128xi32, #tpu.memory_space<vmem>>
          %dma_wait3A_47 = arith.constant 0 : i32
          %dma_wait3A_48 = arith.constant 0 : i32
          %dma_wait3A_49 = tpu.memref_slice %arg4[%dma_wait3A_47, %dma_wait3A_48] : memref<10240x128xf32, #tpu.memory_space<hbm>> -> memref<10240x128xf32, #tpu.memory_space<hbm>>
          tpu.wait_indirect_dma semaphore(%arg12 : memref<!tpu.dma_semaphore, #tpu.memory_space<semaphore_mem>>) src(%dma_wait3A_49 : memref<10240x128xf32, #tpu.memory_space<hbm>>) dst(%arg9 : memref<128x128xf32, #tpu.memory_space<vmem>>)
          "tpu.region"() ({
            %run_scoped3A = tpu.sem_alloc : memref<!tpu.dma_semaphore, #tpu.memory_space<semaphore_mem>>
            %dma_start3A_61 = arith.constant 0 : i32
            %dma_start3A_62 = tpu.memref_slice %arg8[%mul3A_36, %dma_start3A_61] : memref<40x128xi32, #tpu.memory_space<vmem>> -> memref<1x128xi32, #tpu.memory_space<vmem>>
            %dma_start3A_63 = tpu.memref_squeeze %dma_start3A_62 : memref<1x128xi32, #tpu.memory_space<vmem>> -> memref<128xi32, #tpu.memory_space<vmem>>
            %dma_start3A_64 = arith.constant 0 : i32
            %dma_start3A_65 = arith.constant 0 : i32
            %dma_start3A_66 = tpu.memref_slice %arg11[%dma_start3A_64, %dma_start3A_65] : memref<10240x128xf32, #tpu.memory_space<vmem_shared>> -> memref<10240x128xf32, #tpu.memory_space<vmem_shared>>
            tpu.enqueue_indirect_dma source(%arg9 : memref<128x128xf32, #tpu.memory_space<vmem>>) target(%dma_start3A_66 : memref<10240x128xf32, #tpu.memory_space<vmem_shared>>) offsets(%dma_start3A_63 : memref<128xi32, #tpu.memory_space<vmem>>) semaphore(%run_scoped3A : memref<!tpu.dma_semaphore, #tpu.memory_space<semaphore_mem>>) {add = true}
            %dma_wait3A_67 = arith.constant 0 : i32
            %dma_wait3A_68 = tpu.memref_slice %arg8[%mul3A_36, %dma_wait3A_67] : memref<40x128xi32, #tpu.memory_space<vmem>> -> memref<1x128xi32, #tpu.memory_space<vmem>>
            %dma_wait3A_69 = tpu.memref_squeeze %dma_wait3A_68 : memref<1x128xi32, #tpu.memory_space<vmem>> -> memref<128xi32, #tpu.memory_space<vmem>>
            %dma_wait3A_70 = arith.constant 0 : i32
            %dma_wait3A_71 = arith.constant 0 : i32
            %dma_wait3A_72 = tpu.memref_slice %arg11[%dma_wait3A_70, %dma_wait3A_71] : memref<10240x128xf32, #tpu.memory_space<vmem_shared>> -> memref<10240x128xf32, #tpu.memory_space<vmem_shared>>
            tpu.wait_indirect_dma semaphore(%run_scoped3A : memref<!tpu.dma_semaphore, #tpu.memory_space<semaphore_mem>>) src(%arg9 : memref<128x128xf32, #tpu.memory_space<vmem>>) dst(%dma_wait3A_72 : memref<10240x128xf32, #tpu.memory_space<vmem_shared>>)
            tpu.yield
          }) : () -> ()
          %lt3A_50 = arith.constant 19 : i32
          %lt3A_51 = arith.cmpi slt, %scan3A_34, %lt3A_50 : i32
          %convert_element_type3A_52 = arith.extui %lt3A_51 : i1 to i32
          %cond3A_53 = arith.constant 0 : i32
          %cond3A_54 = arith.cmpi ne, %convert_element_type3A_52, %cond3A_53 : i32
          scf.if %cond3A_54 {
            %add3A_61 = arith.constant 1 : i32
            %add3A_62 = arith.addi %add3A_38, %add3A_61 : i32
            %dma_start3A_63 = arith.constant 0 : i32
            %dma_start3A_64 = tpu.memref_slice %arg7[%add3A_62, %dma_start3A_63] : memref<40x128xi32, #tpu.memory_space<vmem>> -> memref<1x128xi32, #tpu.memory_space<vmem>>
            %dma_start3A_65 = tpu.memref_squeeze %dma_start3A_64 : memref<1x128xi32, #tpu.memory_space<vmem>> -> memref<128xi32, #tpu.memory_space<vmem>>
            %dma_start3A_66 = arith.constant 0 : i32
            %dma_start3A_67 = arith.constant 0 : i32
            %dma_start3A_68 = tpu.memref_slice %arg4[%dma_start3A_66, %dma_start3A_67] : memref<10240x128xf32, #tpu.memory_space<hbm>> -> memref<10240x128xf32, #tpu.memory_space<hbm>>
            tpu.enqueue_indirect_dma source(%dma_start3A_68 : memref<10240x128xf32, #tpu.memory_space<hbm>>) target(%arg9 : memref<128x128xf32, #tpu.memory_space<vmem>>) offsets(%dma_start3A_65 : memref<128xi32, #tpu.memory_space<vmem>>) semaphore(%arg12 : memref<!tpu.dma_semaphore, #tpu.memory_space<semaphore_mem>>)
          } else {
          }
          %dma_wait3A_55 = arith.constant 0 : i32
          %dma_wait3A_56 = tpu.memref_slice %arg7[%add3A_38, %dma_wait3A_55] : memref<40x128xi32, #tpu.memory_space<vmem>> -> memref<1x128xi32, #tpu.memory_space<vmem>>
          %dma_wait3A_57 = tpu.memref_squeeze %dma_wait3A_56 : memref<1x128xi32, #tpu.memory_space<vmem>> -> memref<128xi32, #tpu.memory_space<vmem>>
          %dma_wait3A_58 = arith.constant 0 : i32
          %dma_wait3A_59 = arith.constant 0 : i32
          %dma_wait3A_60 = tpu.memref_slice %arg4[%dma_wait3A_58, %dma_wait3A_59] : memref<10240x128xf32, #tpu.memory_space<hbm>> -> memref<10240x128xf32, #tpu.memory_space<hbm>>
          tpu.wait_indirect_dma semaphore(%arg13 : memref<!tpu.dma_semaphore, #tpu.memory_space<semaphore_mem>>) src(%dma_wait3A_60 : memref<10240x128xf32, #tpu.memory_space<hbm>>) dst(%arg10 : memref<128x128xf32, #tpu.memory_space<vmem>>)
          "tpu.region"() ({
            %run_scoped3A = tpu.sem_alloc : memref<!tpu.dma_semaphore, #tpu.memory_space<semaphore_mem>>
            %dma_start3A_61 = arith.constant 0 : i32
            %dma_start3A_62 = tpu.memref_slice %arg8[%add3A_38, %dma_start3A_61] : memref<40x128xi32, #tpu.memory_space<vmem>> -> memref<1x128xi32, #tpu.memory_space<vmem>>
            %dma_start3A_63 = tpu.memref_squeeze %dma_start3A_62 : memref<1x128xi32, #tpu.memory_space<vmem>> -> memref<128xi32, #tpu.memory_space<vmem>>
            %dma_start3A_64 = arith.constant 0 : i32
            %dma_start3A_65 = arith.constant 0 : i32
            %dma_start3A_66 = tpu.memref_slice %arg11[%dma_start3A_64, %dma_start3A_65] : memref<10240x128xf32, #tpu.memory_space<vmem_shared>> -> memref<10240x128xf32, #tpu.memory_space<vmem_shared>>
            tpu.enqueue_indirect_dma source(%arg10 : memref<128x128xf32, #tpu.memory_space<vmem>>) target(%dma_start3A_66 : memref<10240x128xf32, #tpu.memory_space<vmem_shared>>) offsets(%dma_start3A_63 : memref<128xi32, #tpu.memory_space<vmem>>) semaphore(%run_scoped3A : memref<!tpu.dma_semaphore, #tpu.memory_space<semaphore_mem>>) {add = true}
            %dma_wait3A_67 = arith.constant 0 : i32
            %dma_wait3A_68 = tpu.memref_slice %arg8[%add3A_38, %dma_wait3A_67] : memref<40x128xi32, #tpu.memory_space<vmem>> -> memref<1x128xi32, #tpu.memory_space<vmem>>
            %dma_wait3A_69 = tpu.memref_squeeze %dma_wait3A_68 : memref<1x128xi32, #tpu.memory_space<vmem>> -> memref<128xi32, #tpu.memory_space<vmem>>
            %dma_wait3A_70 = arith.constant 0 : i32
            %dma_wait3A_71 = arith.constant 0 : i32
            %dma_wait3A_72 = tpu.memref_slice %arg11[%dma_wait3A_70, %dma_wait3A_71] : memref<10240x128xf32, #tpu.memory_space<vmem_shared>> -> memref<10240x128xf32, #tpu.memory_space<vmem_shared>>
            tpu.wait_indirect_dma semaphore(%run_scoped3A : memref<!tpu.dma_semaphore, #tpu.memory_space<semaphore_mem>>) src(%arg10 : memref<128x128xf32, #tpu.memory_space<vmem>>) dst(%dma_wait3A_72 : memref<10240x128xf32, #tpu.memory_space<vmem_shared>>)
            tpu.yield
          }) : () -> ()
        }
        %scan3A_33 = arith.constant 20 : i32
      } else {
      }
    }
    %scan3A_15 = arith.constant 2 : i32
    %barrier3A_16 = arith.constant 0 : index
    tpu.barrier barrier_id(%barrier3A_16)
    "tpu.region"() ({
      %run_scoped3A = tpu.sem_alloc : memref<!tpu.dma_semaphore, #tpu.memory_space<semaphore_mem>>
      %dma_start3A = arith.constant 0 : i32
      %dma_start3A_17 = tpu.memref_slice %arg6[%arg0, %mul3A_0, %dma_start3A] : memref<2x10240x128xf32, #tpu.memory_space<hbm>> -> memref<1x640x128xf32, #tpu.memory_space<hbm>>
      %dma_start3A_18 = tpu.memref_squeeze %dma_start3A_17 : memref<1x640x128xf32, #tpu.memory_space<hbm>> -> memref<640x128xf32, #tpu.memory_space<hbm>>
      %dma_start3A_19 = arith.constant 0 : i32
      %dma_start3A_20 = tpu.memref_slice %arg11[%mul3A_0, %dma_start3A_19] : memref<10240x128xf32, #tpu.memory_space<vmem_shared>> -> memref<640x128xf32, #tpu.memory_space<vmem_shared>>
      tpu.enqueue_dma source(%dma_start3A_20 : memref<640x128xf32, #tpu.memory_space<vmem_shared>>) target(%dma_start3A_18 : memref<640x128xf32, #tpu.memory_space<hbm>>) target_semaphore(%run_scoped3A : memref<!tpu.dma_semaphore, #tpu.memory_space<semaphore_mem>>)
      %dma_wait3A = arith.constant 0 : i32
      %dma_wait3A_21 = tpu.memref_slice %arg6[%arg0, %mul3A_0, %dma_wait3A] : memref<2x10240x128xf32, #tpu.memory_space<hbm>> -> memref<1x640x128xf32, #tpu.memory_space<hbm>>
      %dma_wait3A_22 = tpu.memref_squeeze %dma_wait3A_21 : memref<1x640x128xf32, #tpu.memory_space<hbm>> -> memref<640x128xf32, #tpu.memory_space<hbm>>
      %dma_wait3A_23 = arith.constant 0 : i32
      %dma_wait3A_24 = tpu.memref_slice %arg11[%mul3A_0, %dma_wait3A_23] : memref<10240x128xf32, #tpu.memory_space<vmem_shared>> -> memref<640x128xf32, #tpu.memory_space<vmem_shared>>
      tpu.wait_dma2 semaphore(%run_scoped3A : memref<!tpu.dma_semaphore, #tpu.memory_space<semaphore_mem>>) src(%dma_wait3A_24 : memref<640x128xf32, #tpu.memory_space<vmem_shared>>) dst(%dma_wait3A_22 : memref<640x128xf32, #tpu.memory_space<hbm>>)
      tpu.yield
    }) : () -> ()
    return
  }
}

module attributes {stable_mosaic.version = 14 : i64} {
  func.func @_mm1_body(%arg0: i32, %arg1: memref<512x128xf32, #tpu.memory_space<vmem>>, %arg2: memref<128x128xf32, #tpu.memory_space<vmem>>, %arg3: memref<2x512x128xf32, #tpu.memory_space<vmem>>, %arg4: memref<512x128xf32, #tpu.memory_space<vmem>>, %arg5: memref<512x128xf32, #tpu.memory_space<vmem>>) attributes {dimension_semantics = [#tpu.dimension_semantics<arbitrary>], iteration_bounds = array<i64: 20>, scalar_prefetch = 0 : i64, scratch_operands = 0 : i64, tpu.core_type = #tpu.core_type<tc>, window_params = [{transform_indices = @transform_0, window_bounds = array<i64: 512, 128>}, {pipeline_mode = #tpu.pipeline_mode<synchronous>, transform_indices = @transform_1, window_bounds = array<i64: 128, 128>}, {transform_indices = @transform_2, window_bounds = array<i64: 2, 512, 128>}, {transform_indices = @transform_3, window_bounds = array<i64: 512, 128>}, {transform_indices = @transform_4, window_bounds = array<i64: 512, 128>}]} {
    %get3A = arith.constant 0 : index
    %get3A_0 = arith.constant 0 : index
    %get3A_1 = arith.constant 0 : index
    %get3A_2 = vector.load %arg3[%get3A, %get3A_0, %get3A_1] : memref<2x512x128xf32, #tpu.memory_space<vmem>>, vector<1x512x1xf32>
    %get3A_3 = vector.shape_cast %get3A_2 : vector<1x512x1xf32> to vector<512x1xf32>
    %get3A_4 = arith.constant 1 : index
    %get3A_5 = arith.constant 0 : index
    %get3A_6 = arith.constant 0 : index
    %get3A_7 = vector.load %arg3[%get3A_4, %get3A_5, %get3A_6] : memref<2x512x128xf32, #tpu.memory_space<vmem>>, vector<1x512x1xf32>
    %get3A_8 = vector.shape_cast %get3A_7 : vector<1x512x1xf32> to vector<512x1xf32>
    %add3A = arith.addf %get3A_3, %get3A_8 : vector<512x1xf32>
    %add3A_9 = arith.constant 1.000000e+00 : f32
    %add3A_10 = vector.broadcast %add3A_9 : f32 to vector<512x1xf32>
    %add3A_11 = arith.addf %add3A, %add3A_10 : vector<512x1xf32>
    %rsqrt3A = math.rsqrt %add3A_11 : vector<512x1xf32>
    %iota3A = tpu.iota {dimensions = array<i32: 0>} : vector<512x1xi32>
    %mul3A = arith.constant 512 : i32
    %mul3A_12 = arith.muli %arg0, %mul3A : i32
    %add3A_13 = vector.broadcast %mul3A_12 : i32 to vector<512x1xi32>
    %add3A_14 = arith.addi %iota3A, %add3A_13 : vector<512x1xi32>
    %lt3A = arith.constant 10000 : i32
    %lt3A_15 = vector.broadcast %lt3A : i32 to vector<512x1xi32>
    %lt3A_16 = arith.cmpi slt, %add3A_14, %lt3A_15 : vector<512x1xi32>
    %jit3A = arith.constant 0.000000e+00 : f32
    %broadcast_in_dim3A = vector.broadcast %jit3A : f32 to vector<512x1xf32>
    %select_n3A = arith.select %lt3A_16, %rsqrt3A, %broadcast_in_dim3A : vector<512x1xi1>, vector<512x1xf32>
    %get3A_17 = arith.constant 0 : index
    %get3A_18 = arith.constant 0 : index
    %get3A_19 = vector.load %arg1[%get3A_17, %get3A_18] : memref<512x128xf32, #tpu.memory_space<vmem>>, vector<512x128xf32>
    %get3A_20 = arith.constant 0 : index
    %get3A_21 = arith.constant 0 : index
    %get3A_22 = vector.load %arg2[%get3A_20, %get3A_21] : memref<128x128xf32, #tpu.memory_space<vmem>>, vector<128x128xf32>
    %dot_general3A = arith.constant dense<0.000000e+00> : vector<512x128xf32>
    %dot_general3A_23 = tpu.matmul %get3A_19, %get3A_22, %dot_general3A {dimension_numbers = #tpu.dot_dimension_numbers<[1], [0], [0], [1], [0, 0, 1, 1], [], []>, transpose_lhs_hint = false} : vector<512x128xf32>, vector<128x128xf32>, vector<512x128xf32> -> vector<512x128xf32>
    %broadcast_in_dim3A_24 = vector.shape_cast %select_n3A : vector<512x1xf32> to vector<512x1xf32>
    %broadcast_in_dim3A_25 = vector.broadcast %broadcast_in_dim3A_24 : vector<512x1xf32> to vector<512x128xf32>
    %mul3A_26 = arith.mulf %dot_general3A_23, %broadcast_in_dim3A_25 : vector<512x128xf32>
    %swap3A = arith.constant 0 : index
    %swap3A_27 = arith.constant 0 : index
    %swap3A_28 = vector.load %arg4[%swap3A, %swap3A_27] : memref<512x128xf32, #tpu.memory_space<vmem>>, vector<512x128xf32>
    tpu.vector_store %arg4[%swap3A, %swap3A_27], %mul3A_26 {strides = array<i32>} : memref<512x128xf32, #tpu.memory_space<vmem>>, vector<512x128xf32>,
    %swap3A_29 = arith.constant 0 : index
    %swap3A_30 = arith.constant 0 : index
    %swap3A_31 = vector.load %arg5[%swap3A_29, %swap3A_30] : memref<512x128xf32, #tpu.memory_space<vmem>>, vector<512x128xf32>
    tpu.vector_store %arg5[%swap3A_29, %swap3A_30], %broadcast_in_dim3A_25 {strides = array<i32>} : memref<512x128xf32, #tpu.memory_space<vmem>>, vector<512x128xf32>,
    return
  }
  func.func @transform_0(%arg0: i32) -> (i32, i32) {
    %c0_i32 = arith.constant 0 : i32
    %c0_i32_0 = arith.constant 0 : i32
    return %arg0, %c0_i32 : i32, i32
  }
  func.func @transform_1(%arg0: i32) -> (i32, i32) {
    %c0_i32 = arith.constant 0 : i32
    %c0_i32_0 = arith.constant 0 : i32
    %c0_i32_1 = arith.constant 0 : i32
    return %c0_i32, %c0_i32_0 : i32, i32
  }
  func.func @transform_2(%arg0: i32) -> (i32, i32, i32) {
    %c0_i32 = arith.constant 0 : i32
    %c0_i32_0 = arith.constant 0 : i32
    %c0_i32_1 = arith.constant 0 : i32
    return %c0_i32, %arg0, %c0_i32_0 : i32, i32, i32
  }
  func.func @transform_3(%arg0: i32) -> (i32, i32) {
    %c0_i32 = arith.constant 0 : i32
    %c0_i32_0 = arith.constant 0 : i32
    return %arg0, %c0_i32 : i32, i32
  }
  func.func @transform_4(%arg0: i32) -> (i32, i32) {
    %c0_i32 = arith.constant 0 : i32
    %c0_i32_0 = arith.constant 0 : i32
    return %arg0, %c0_i32 : i32, i32
  }
}

module attributes {stable_mosaic.version = 14 : i64} {
  func.func @_mm2_body(%arg0: i32, %arg1: memref<2x512x128xf32, #tpu.memory_space<vmem>>, %arg2: memref<512x128xf32, #tpu.memory_space<vmem>>, %arg3: memref<512x128xf32, #tpu.memory_space<vmem>>, %arg4: memref<128x128xf32, #tpu.memory_space<vmem>>, %arg5: memref<1x128xf32, #tpu.memory_space<vmem>>, %arg6: memref<1x128xf32, #tpu.memory_space<vmem>>, %arg7: memref<1x128xf32, #tpu.memory_space<vmem>>, %arg8: memref<1x128xf32, #tpu.memory_space<vmem>>, %arg9: memref<1x128xf32, #tpu.memory_space<vmem>>, %arg10: memref<512x128xf32, #tpu.memory_space<vmem>>) attributes {dimension_semantics = [#tpu.dimension_semantics<arbitrary>], iteration_bounds = array<i64: 20>, scalar_prefetch = 0 : i64, scratch_operands = 0 : i64, tpu.core_type = #tpu.core_type<tc>, window_params = [{transform_indices = @transform_0, window_bounds = array<i64: 2, 512, 128>}, {transform_indices = @transform_1, window_bounds = array<i64: 512, 128>}, {transform_indices = @transform_2, window_bounds = array<i64: 512, 128>}, {pipeline_mode = #tpu.pipeline_mode<synchronous>, transform_indices = @transform_3, window_bounds = array<i64: 128, 128>}, {pipeline_mode = #tpu.pipeline_mode<synchronous>, transform_indices = @transform_4, window_bounds = array<i64: 1, 128>}, {pipeline_mode = #tpu.pipeline_mode<synchronous>, transform_indices = @transform_5, window_bounds = array<i64: 1, 128>}, {pipeline_mode = #tpu.pipeline_mode<synchronous>, transform_indices = @transform_6, window_bounds = array<i64: 1, 128>}, {pipeline_mode = #tpu.pipeline_mode<synchronous>, transform_indices = @transform_7, window_bounds = array<i64: 1, 128>}, {pipeline_mode = #tpu.pipeline_mode<synchronous>, transform_indices = @transform_8, window_bounds = array<i64: 1, 128>}, {transform_indices = @transform_9, window_bounds = array<i64: 512, 128>}]} {
    %get3A = arith.constant 0 : index
    %get3A_0 = arith.constant 0 : index
    %get3A_1 = arith.constant 0 : index
    %get3A_2 = vector.load %arg1[%get3A, %get3A_0, %get3A_1] : memref<2x512x128xf32, #tpu.memory_space<vmem>>, vector<1x512x128xf32>
    %get3A_3 = vector.shape_cast %get3A_2 : vector<1x512x128xf32> to vector<512x128xf32>
    %get3A_4 = arith.constant 1 : index
    %get3A_5 = arith.constant 0 : index
    %get3A_6 = arith.constant 0 : index
    %get3A_7 = vector.load %arg1[%get3A_4, %get3A_5, %get3A_6] : memref<2x512x128xf32, #tpu.memory_space<vmem>>, vector<1x512x128xf32>
    %get3A_8 = vector.shape_cast %get3A_7 : vector<1x512x128xf32> to vector<512x128xf32>
    %add3A = arith.addf %get3A_3, %get3A_8 : vector<512x128xf32>
    %get3A_9 = arith.constant 0 : index
    %get3A_10 = arith.constant 0 : index
    %get3A_11 = vector.load %arg2[%get3A_9, %get3A_10] : memref<512x128xf32, #tpu.memory_space<vmem>>, vector<512x128xf32>
    %add3A_12 = arith.addf %add3A, %get3A_11 : vector<512x128xf32>
    %get3A_13 = arith.constant 0 : index
    %get3A_14 = arith.constant 0 : index
    %get3A_15 = vector.load %arg3[%get3A_13, %get3A_14] : memref<512x128xf32, #tpu.memory_space<vmem>>, vector<512x128xf32>
    %mul3A = arith.mulf %add3A_12, %get3A_15 : vector<512x128xf32>
    %get3A_16 = arith.constant 0 : index
    %get3A_17 = arith.constant 0 : index
    %get3A_18 = vector.load %arg5[%get3A_16, %get3A_17] : memref<1x128xf32, #tpu.memory_space<vmem>>, vector<1x128xf32>
    %add3A_19 = vector.broadcast %get3A_18 : vector<1x128xf32> to vector<512x128xf32>
    %add3A_20 = arith.addf %mul3A, %add3A_19 : vector<512x128xf32>
    %get3A_21 = arith.constant 0 : index
    %get3A_22 = arith.constant 0 : index
    %get3A_23 = vector.load %arg8[%get3A_21, %get3A_22] : memref<1x128xf32, #tpu.memory_space<vmem>>, vector<1x128xf32>
    %sub3A = vector.broadcast %get3A_23 : vector<1x128xf32> to vector<512x128xf32>
    %sub3A_24 = arith.subf %add3A_20, %sub3A : vector<512x128xf32>
    %get3A_25 = arith.constant 0 : index
    %get3A_26 = arith.constant 0 : index
    %get3A_27 = vector.load %arg9[%get3A_25, %get3A_26] : memref<1x128xf32, #tpu.memory_space<vmem>>, vector<1x128xf32>
    %add3A_28 = arith.constant 9.99999974E-6 : f32
    %add3A_29 = vector.broadcast %add3A_28 : f32 to vector<1x128xf32>
    %add3A_30 = arith.addf %get3A_27, %add3A_29 : vector<1x128xf32>
    %rsqrt3A = math.rsqrt %add3A_30 : vector<1x128xf32>
    %mul3A_31 = vector.broadcast %rsqrt3A : vector<1x128xf32> to vector<512x128xf32>
    %mul3A_32 = arith.mulf %sub3A_24, %mul3A_31 : vector<512x128xf32>
    %get3A_33 = arith.constant 0 : index
    %get3A_34 = arith.constant 0 : index
    %get3A_35 = vector.load %arg6[%get3A_33, %get3A_34] : memref<1x128xf32, #tpu.memory_space<vmem>>, vector<1x128xf32>
    %mul3A_36 = vector.broadcast %get3A_35 : vector<1x128xf32> to vector<512x128xf32>
    %mul3A_37 = arith.mulf %mul3A_32, %mul3A_36 : vector<512x128xf32>
    %get3A_38 = arith.constant 0 : index
    %get3A_39 = arith.constant 0 : index
    %get3A_40 = vector.load %arg7[%get3A_38, %get3A_39] : memref<1x128xf32, #tpu.memory_space<vmem>>, vector<1x128xf32>
    %add3A_41 = vector.broadcast %get3A_40 : vector<1x128xf32> to vector<512x128xf32>
    %add3A_42 = arith.addf %mul3A_37, %add3A_41 : vector<512x128xf32>
    %max3A = arith.constant 0.000000e+00 : f32
    %max3A_43 = vector.broadcast %max3A : f32 to vector<512x128xf32>
    %max3A_44 = arith.maximumf %add3A_42, %max3A_43 : vector<512x128xf32>
    %get3A_45 = arith.constant 0 : index
    %get3A_46 = arith.constant 0 : index
    %get3A_47 = vector.load %arg4[%get3A_45, %get3A_46] : memref<128x128xf32, #tpu.memory_space<vmem>>, vector<128x128xf32>
    %dot_general3A = arith.constant dense<0.000000e+00> : vector<512x128xf32>
    %dot_general3A_48 = tpu.matmul %max3A_44, %get3A_47, %dot_general3A {dimension_numbers = #tpu.dot_dimension_numbers<[1], [0], [0], [1], [0, 0, 1, 1], [], []>, transpose_lhs_hint = false} : vector<512x128xf32>, vector<128x128xf32>, vector<512x128xf32> -> vector<512x128xf32>
    %get3A_49 = arith.constant 0 : index
    %get3A_50 = arith.constant 0 : index
    %get3A_51 = vector.load %arg3[%get3A_49, %get3A_50] : memref<512x128xf32, #tpu.memory_space<vmem>>, vector<512x128xf32>
    %mul3A_52 = arith.mulf %dot_general3A_48, %get3A_51 : vector<512x128xf32>
    %swap3A = arith.constant 0 : index
    %swap3A_53 = arith.constant 0 : index
    %swap3A_54 = vector.load %arg10[%swap3A, %swap3A_53] : memref<512x128xf32, #tpu.memory_space<vmem>>, vector<512x128xf32>
    tpu.vector_store %arg10[%swap3A, %swap3A_53], %mul3A_52 {strides = array<i32>} : memref<512x128xf32, #tpu.memory_space<vmem>>, vector<512x128xf32>,
    return
  }
  func.func @transform_0(%arg0: i32) -> (i32, i32, i32) {
    %c0_i32 = arith.constant 0 : i32
    %c0_i32_0 = arith.constant 0 : i32
    %c0_i32_1 = arith.constant 0 : i32
    return %c0_i32, %arg0, %c0_i32_0 : i32, i32, i32
  }
  func.func @transform_1(%arg0: i32) -> (i32, i32) {
    %c0_i32 = arith.constant 0 : i32
    %c0_i32_0 = arith.constant 0 : i32
    return %arg0, %c0_i32 : i32, i32
  }
  func.func @transform_2(%arg0: i32) -> (i32, i32) {
    %c0_i32 = arith.constant 0 : i32
    %c0_i32_0 = arith.constant 0 : i32
    return %arg0, %c0_i32 : i32, i32
  }
  func.func @transform_3(%arg0: i32) -> (i32, i32) {
    %c0_i32 = arith.constant 0 : i32
    %c0_i32_0 = arith.constant 0 : i32
    %c0_i32_1 = arith.constant 0 : i32
    return %c0_i32, %c0_i32_0 : i32, i32
  }
  func.func @transform_4(%arg0: i32) -> (i32, i32) {
    %c0_i32 = arith.constant 0 : i32
    %c0_i32_0 = arith.constant 0 : i32
    %c0_i32_1 = arith.constant 0 : i32
    return %c0_i32, %c0_i32_0 : i32, i32
  }
  func.func @transform_5(%arg0: i32) -> (i32, i32) {
    %c0_i32 = arith.constant 0 : i32
    %c0_i32_0 = arith.constant 0 : i32
    %c0_i32_1 = arith.constant 0 : i32
    return %c0_i32, %c0_i32_0 : i32, i32
  }
  func.func @transform_6(%arg0: i32) -> (i32, i32) {
    %c0_i32 = arith.constant 0 : i32
    %c0_i32_0 = arith.constant 0 : i32
    %c0_i32_1 = arith.constant 0 : i32
    return %c0_i32, %c0_i32_0 : i32, i32
  }
  func.func @transform_7(%arg0: i32) -> (i32, i32) {
    %c0_i32 = arith.constant 0 : i32
    %c0_i32_0 = arith.constant 0 : i32
    %c0_i32_1 = arith.constant 0 : i32
    return %c0_i32, %c0_i32_0 : i32, i32
  }
  func.func @transform_8(%arg0: i32) -> (i32, i32) {
    %c0_i32 = arith.constant 0 : i32
    %c0_i32_0 = arith.constant 0 : i32
    %c0_i32_1 = arith.constant 0 : i32
    return %c0_i32, %c0_i32_0 : i32, i32
  }
  func.func @transform_9(%arg0: i32) -> (i32, i32) {
    %c0_i32 = arith.constant 0 : i32
    %c0_i32_0 = arith.constant 0 : i32
    return %arg0, %c0_i32 : i32, i32
  }
}

module attributes {stable_mosaic.version = 14 : i64} {
  func.func @_pool_body(%arg0: i32, %arg1: memref<2x512x128xf32, #tpu.memory_space<vmem>>, %arg2: memref<512x128xf32, #tpu.memory_space<vmem>>, %arg3: memref<512x128xf32, #tpu.memory_space<vmem>>, %arg4: memref<1x128xf32, #tpu.memory_space<vmem>>, %arg5: memref<1x128xf32, #tpu.memory_space<vmem>>, %arg6: memref<1x128xf32, #tpu.memory_space<vmem>>, %arg7: memref<1x128xf32, #tpu.memory_space<vmem>>, %arg8: memref<1x128xf32, #tpu.memory_space<vmem>>, %arg9: memref<512x1xi32, #tpu.memory_space<vmem>>, %arg10: memref<128x64xf32, #tpu.memory_space<vmem>>, %arg11: memref<1x64xf32, #tpu.memory_space<vmem>>, %arg12: memref<64x64xf32, #tpu.memory_space<vmem>>, %arg13: memref<64x128xf32, #tpu.memory_space<vmem>>, %arg14: memref<64x128xf32, #tpu.memory_space<vmem>>) attributes {dimension_semantics = [#tpu.dimension_semantics<arbitrary>], iteration_bounds = array<i64: 20>, scalar_prefetch = 0 : i64, scratch_operands = 2 : i64, tpu.core_type = #tpu.core_type<tc>, window_params = [{transform_indices = @transform_0, window_bounds = array<i64: 2, 512, 128>}, {transform_indices = @transform_1, window_bounds = array<i64: 512, 128>}, {transform_indices = @transform_2, window_bounds = array<i64: 512, 128>}, {pipeline_mode = #tpu.pipeline_mode<synchronous>, transform_indices = @transform_3, window_bounds = array<i64: 1, 128>}, {pipeline_mode = #tpu.pipeline_mode<synchronous>, transform_indices = @transform_4, window_bounds = array<i64: 1, 128>}, {pipeline_mode = #tpu.pipeline_mode<synchronous>, transform_indices = @transform_5, window_bounds = array<i64: 1, 128>}, {pipeline_mode = #tpu.pipeline_mode<synchronous>, transform_indices = @transform_6, window_bounds = array<i64: 1, 128>}, {pipeline_mode = #tpu.pipeline_mode<synchronous>, transform_indices = @transform_7, window_bounds = array<i64: 1, 128>}, {transform_indices = @transform_8, window_bounds = array<i64: 512, 1>}, {pipeline_mode = #tpu.pipeline_mode<synchronous>, transform_indices = @transform_9, window_bounds = array<i64: 128, 64>}, {pipeline_mode = #tpu.pipeline_mode<synchronous>, transform_indices = @transform_10, window_bounds = array<i64: 1, 64>}, {pipeline_mode = #tpu.pipeline_mode<synchronous>, transform_indices = @transform_11, window_bounds = array<i64: 64, 64>}]} {
    %get3A = arith.constant 0 : index
    %get3A_0 = arith.constant 0 : index
    %get3A_1 = arith.constant 0 : index
    %get3A_2 = vector.load %arg1[%get3A, %get3A_0, %get3A_1] : memref<2x512x128xf32, #tpu.memory_space<vmem>>, vector<1x512x128xf32>
    %get3A_3 = vector.shape_cast %get3A_2 : vector<1x512x128xf32> to vector<512x128xf32>
    %get3A_4 = arith.constant 1 : index
    %get3A_5 = arith.constant 0 : index
    %get3A_6 = arith.constant 0 : index
    %get3A_7 = vector.load %arg1[%get3A_4, %get3A_5, %get3A_6] : memref<2x512x128xf32, #tpu.memory_space<vmem>>, vector<1x512x128xf32>
    %get3A_8 = vector.shape_cast %get3A_7 : vector<1x512x128xf32> to vector<512x128xf32>
    %add3A = arith.addf %get3A_3, %get3A_8 : vector<512x128xf32>
    %get3A_9 = arith.constant 0 : index
    %get3A_10 = arith.constant 0 : index
    %get3A_11 = vector.load %arg2[%get3A_9, %get3A_10] : memref<512x128xf32, #tpu.memory_space<vmem>>, vector<512x128xf32>
    %add3A_12 = arith.addf %add3A, %get3A_11 : vector<512x128xf32>
    %get3A_13 = arith.constant 0 : index
    %get3A_14 = arith.constant 0 : index
    %get3A_15 = vector.load %arg3[%get3A_13, %get3A_14] : memref<512x128xf32, #tpu.memory_space<vmem>>, vector<512x128xf32>
    %mul3A = arith.mulf %add3A_12, %get3A_15 : vector<512x128xf32>
    %get3A_16 = arith.constant 0 : index
    %get3A_17 = arith.constant 0 : index
    %get3A_18 = vector.load %arg4[%get3A_16, %get3A_17] : memref<1x128xf32, #tpu.memory_space<vmem>>, vector<1x128xf32>
    %add3A_19 = vector.broadcast %get3A_18 : vector<1x128xf32> to vector<512x128xf32>
    %add3A_20 = arith.addf %mul3A, %add3A_19 : vector<512x128xf32>
    %get3A_21 = arith.constant 0 : index
    %get3A_22 = arith.constant 0 : index
    %get3A_23 = vector.load %arg7[%get3A_21, %get3A_22] : memref<1x128xf32, #tpu.memory_space<vmem>>, vector<1x128xf32>
    %sub3A = vector.broadcast %get3A_23 : vector<1x128xf32> to vector<512x128xf32>
    %sub3A_24 = arith.subf %add3A_20, %sub3A : vector<512x128xf32>
    %get3A_25 = arith.constant 0 : index
    %get3A_26 = arith.constant 0 : index
    %get3A_27 = vector.load %arg8[%get3A_25, %get3A_26] : memref<1x128xf32, #tpu.memory_space<vmem>>, vector<1x128xf32>
    %add3A_28 = arith.constant 9.99999974E-6 : f32
    %add3A_29 = vector.broadcast %add3A_28 : f32 to vector<1x128xf32>
    %add3A_30 = arith.addf %get3A_27, %add3A_29 : vector<1x128xf32>
    %rsqrt3A = math.rsqrt %add3A_30 : vector<1x128xf32>
    %mul3A_31 = vector.broadcast %rsqrt3A : vector<1x128xf32> to vector<512x128xf32>
    %mul3A_32 = arith.mulf %sub3A_24, %mul3A_31 : vector<512x128xf32>
    %get3A_33 = arith.constant 0 : index
    %get3A_34 = arith.constant 0 : index
    %get3A_35 = vector.load %arg5[%get3A_33, %get3A_34] : memref<1x128xf32, #tpu.memory_space<vmem>>, vector<1x128xf32>
    %mul3A_36 = vector.broadcast %get3A_35 : vector<1x128xf32> to vector<512x128xf32>
    %mul3A_37 = arith.mulf %mul3A_32, %mul3A_36 : vector<512x128xf32>
    %get3A_38 = arith.constant 0 : index
    %get3A_39 = arith.constant 0 : index
    %get3A_40 = vector.load %arg6[%get3A_38, %get3A_39] : memref<1x128xf32, #tpu.memory_space<vmem>>, vector<1x128xf32>
    %add3A_41 = vector.broadcast %get3A_40 : vector<1x128xf32> to vector<512x128xf32>
    %add3A_42 = arith.addf %mul3A_37, %add3A_41 : vector<512x128xf32>
    %max3A = arith.constant 0.000000e+00 : f32
    %max3A_43 = vector.broadcast %max3A : f32 to vector<512x128xf32>
    %max3A_44 = arith.maximumf %add3A_42, %max3A_43 : vector<512x128xf32>
    %get3A_45 = arith.constant 0 : index
    %get3A_46 = arith.constant 0 : index
    %get3A_47 = vector.load %arg9[%get3A_45, %get3A_46] : memref<512x1xi32, #tpu.memory_space<vmem>>, vector<512x1xi32>
    %iota3A = tpu.iota {dimensions = array<i32: 1>} : vector<1x64xi32>
    %eq3A = vector.broadcast %get3A_47 : vector<512x1xi32> to vector<512x64xi32>
    %eq3A_48 = vector.broadcast %iota3A : vector<1x64xi32> to vector<512x64xi32>
    %eq3A_49 = arith.cmpi eq, %eq3A, %eq3A_48 : vector<512x64xi32>
    %convert_element_type3A = arith.extui %eq3A_49 : vector<512x64xi1> to vector<512x64xi32>
    %convert_element_type3A_50 = arith.sitofp %convert_element_type3A : vector<512x64xi32> to vector<512x64xf32>
    %eq3A_51 = arith.constant 0 : i32
    %eq3A_52 = arith.cmpi eq, %arg0, %eq3A_51 : i32
    %convert_element_type3A_53 = arith.extui %eq3A_52 : i1 to i32
    %cond3A = arith.constant 0 : i32
    %cond3A_54 = arith.cmpi ne, %convert_element_type3A_53, %cond3A : i32
    scf.if %cond3A_54 {
      %broadcast_in_dim3A_77 = arith.constant 0.000000e+00 : f32
      %broadcast_in_dim3A_78 = vector.broadcast %broadcast_in_dim3A_77 : f32 to vector<64x128xf32>
      %swap3A_79 = arith.constant 0 : index
      %swap3A_80 = arith.constant 0 : index
      %swap3A_81 = vector.load %arg13[%swap3A_79, %swap3A_80] : memref<64x128xf32, #tpu.memory_space<vmem>>, vector<64x128xf32>
      tpu.vector_store %arg13[%swap3A_79, %swap3A_80], %broadcast_in_dim3A_78 {strides = array<i32>} : memref<64x128xf32, #tpu.memory_space<vmem>>, vector<64x128xf32>,
      %broadcast_in_dim3A_82 = arith.constant 0.000000e+00 : f32
      %broadcast_in_dim3A_83 = vector.broadcast %broadcast_in_dim3A_82 : f32 to vector<64x128xf32>
      %swap3A_84 = arith.constant 0 : index
      %swap3A_85 = arith.constant 0 : index
      %swap3A_86 = vector.load %arg14[%swap3A_84, %swap3A_85] : memref<64x128xf32, #tpu.memory_space<vmem>>, vector<64x128xf32>
      tpu.vector_store %arg14[%swap3A_84, %swap3A_85], %broadcast_in_dim3A_83 {strides = array<i32>} : memref<64x128xf32, #tpu.memory_space<vmem>>, vector<64x128xf32>,
    } else {
    }
    %get3A_55 = arith.constant 0 : index
    %get3A_56 = arith.constant 0 : index
    %get3A_57 = vector.load %arg13[%get3A_55, %get3A_56] : memref<64x128xf32, #tpu.memory_space<vmem>>, vector<64x128xf32>
    %dot_general3A = arith.constant dense<0.000000e+00> : vector<64x128xf32>
    %dot_general3A_58 = tpu.matmul %convert_element_type3A_50, %max3A_44, %dot_general3A {dimension_numbers = #tpu.dot_dimension_numbers<[0], [0], [1], [1], [0, 1, 1, 1], [], []>, transpose_lhs_hint = false} : vector<512x64xf32>, vector<512x128xf32>, vector<64x128xf32> -> vector<64x128xf32>
    %add3A_59 = arith.addf %get3A_57, %dot_general3A_58 : vector<64x128xf32>
    %swap3A = arith.constant 0 : index
    %swap3A_60 = arith.constant 0 : index
    %swap3A_61 = vector.load %arg13[%swap3A, %swap3A_60] : memref<64x128xf32, #tpu.memory_space<vmem>>, vector<64x128xf32>
    tpu.vector_store %arg13[%swap3A, %swap3A_60], %add3A_59 {strides = array<i32>} : memref<64x128xf32, #tpu.memory_space<vmem>>, vector<64x128xf32>,
    %get3A_62 = arith.constant 0 : index
    %get3A_63 = arith.constant 0 : index
    %get3A_64 = vector.load %arg14[%get3A_62, %get3A_63] : memref<64x128xf32, #tpu.memory_space<vmem>>, vector<64x128xf32>
    %broadcast_in_dim3A = arith.constant 1.000000e+00 : f32
    %broadcast_in_dim3A_65 = vector.broadcast %broadcast_in_dim3A : f32 to vector<512x128xf32>
    %dot_general3A_66 = arith.constant dense<0.000000e+00> : vector<64x128xf32>
    %dot_general3A_67 = tpu.matmul %convert_element_type3A_50, %broadcast_in_dim3A_65, %dot_general3A_66 {dimension_numbers = #tpu.dot_dimension_numbers<[0], [0], [1], [1], [0, 1, 1, 1], [], []>, transpose_lhs_hint = false} : vector<512x64xf32>, vector<512x128xf32>, vector<64x128xf32> -> vector<64x128xf32>
    %add3A_68 = arith.addf %get3A_64, %dot_general3A_67 : vector<64x128xf32>
    %swap3A_69 = arith.constant 0 : index
    %swap3A_70 = arith.constant 0 : index
    %swap3A_71 = vector.load %arg14[%swap3A_69, %swap3A_70] : memref<64x128xf32, #tpu.memory_space<vmem>>, vector<64x128xf32>
    tpu.vector_store %arg14[%swap3A_69, %swap3A_70], %add3A_68 {strides = array<i32>} : memref<64x128xf32, #tpu.memory_space<vmem>>, vector<64x128xf32>,
    %eq3A_72 = arith.constant 19 : i32
    %eq3A_73 = arith.cmpi eq, %arg0, %eq3A_72 : i32
    %convert_element_type3A_74 = arith.extui %eq3A_73 : i1 to i32
    %cond3A_75 = arith.constant 0 : i32
    %cond3A_76 = arith.cmpi ne, %convert_element_type3A_74, %cond3A_75 : i32
    scf.if %cond3A_76 {
      %get3A_77 = arith.constant 0 : index
      %get3A_78 = arith.constant 0 : index
      %get3A_79 = vector.load %arg13[%get3A_77, %get3A_78] : memref<64x128xf32, #tpu.memory_space<vmem>>, vector<64x128xf32>
      %get3A_80 = arith.constant 0 : index
      %get3A_81 = arith.constant 0 : index
      %get3A_82 = vector.load %arg14[%get3A_80, %get3A_81] : memref<64x128xf32, #tpu.memory_space<vmem>>, vector<64x128xf32>
      %max3A_83 = arith.constant 1.000000e+00 : f32
      %max3A_84 = vector.broadcast %max3A_83 : f32 to vector<64x128xf32>
      %max3A_85 = arith.maximumf %get3A_82, %max3A_84 : vector<64x128xf32>
      %div3A = arith.divf %get3A_79, %max3A_85 : vector<64x128xf32>
      %get3A_86 = arith.constant 0 : index
      %get3A_87 = arith.constant 0 : index
      %get3A_88 = vector.load %arg10[%get3A_86, %get3A_87] : memref<128x64xf32, #tpu.memory_space<vmem>>, vector<128x64xf32>
      %dot_general3A_89 = arith.constant dense<0.000000e+00> : vector<64x64xf32>
      %dot_general3A_90 = tpu.matmul %div3A, %get3A_88, %dot_general3A_89 {dimension_numbers = #tpu.dot_dimension_numbers<[1], [0], [0], [1], [0, 0, 1, 1], [], []>, transpose_lhs_hint = false} : vector<64x128xf32>, vector<128x64xf32>, vector<64x64xf32> -> vector<64x64xf32>
      %get3A_91 = arith.constant 0 : index
      %get3A_92 = arith.constant 0 : index
      %get3A_93 = vector.load %arg11[%get3A_91, %get3A_92] : memref<1x64xf32, #tpu.memory_space<vmem>>, vector<1x64xf32>
      %add3A_94 = vector.broadcast %get3A_93 : vector<1x64xf32> to vector<64x64xf32>
      %add3A_95 = arith.addf %dot_general3A_90, %add3A_94 : vector<64x64xf32>
      %swap3A_96 = arith.constant 0 : index
      %swap3A_97 = arith.constant 0 : index
      %swap3A_98 = vector.load %arg12[%swap3A_96, %swap3A_97] : memref<64x64xf32, #tpu.memory_space<vmem>>, vector<64x64xf32>
      tpu.vector_store %arg12[%swap3A_96, %swap3A_97], %add3A_95 {strides = array<i32>} : memref<64x64xf32, #tpu.memory_space<vmem>>, vector<64x64xf32>,
    } else {
    }
    return
  }
  func.func @transform_0(%arg0: i32) -> (i32, i32, i32) {
    %c0_i32 = arith.constant 0 : i32
    %c0_i32_0 = arith.constant 0 : i32
    %c0_i32_1 = arith.constant 0 : i32
    return %c0_i32, %arg0, %c0_i32_0 : i32, i32, i32
  }
  func.func @transform_1(%arg0: i32) -> (i32, i32) {
    %c0_i32 = arith.constant 0 : i32
    %c0_i32_0 = arith.constant 0 : i32
    return %arg0, %c0_i32 : i32, i32
  }
  func.func @transform_2(%arg0: i32) -> (i32, i32) {
    %c0_i32 = arith.constant 0 : i32
    %c0_i32_0 = arith.constant 0 : i32
    return %arg0, %c0_i32 : i32, i32
  }
  func.func @transform_3(%arg0: i32) -> (i32, i32) {
    %c0_i32 = arith.constant 0 : i32
    %c0_i32_0 = arith.constant 0 : i32
    %c0_i32_1 = arith.constant 0 : i32
    return %c0_i32, %c0_i32_0 : i32, i32
  }
  func.func @transform_4(%arg0: i32) -> (i32, i32) {
    %c0_i32 = arith.constant 0 : i32
    %c0_i32_0 = arith.constant 0 : i32
    %c0_i32_1 = arith.constant 0 : i32
    return %c0_i32, %c0_i32_0 : i32, i32
  }
  func.func @transform_5(%arg0: i32) -> (i32, i32) {
    %c0_i32 = arith.constant 0 : i32
    %c0_i32_0 = arith.constant 0 : i32
    %c0_i32_1 = arith.constant 0 : i32
    return %c0_i32, %c0_i32_0 : i32, i32
  }
  func.func @transform_6(%arg0: i32) -> (i32, i32) {
    %c0_i32 = arith.constant 0 : i32
    %c0_i32_0 = arith.constant 0 : i32
    %c0_i32_1 = arith.constant 0 : i32
    return %c0_i32, %c0_i32_0 : i32, i32
  }
  func.func @transform_7(%arg0: i32) -> (i32, i32) {
    %c0_i32 = arith.constant 0 : i32
    %c0_i32_0 = arith.constant 0 : i32
    %c0_i32_1 = arith.constant 0 : i32
    return %c0_i32, %c0_i32_0 : i32, i32
  }
  func.func @transform_8(%arg0: i32) -> (i32, i32) {
    %c0_i32 = arith.constant 0 : i32
    %c0_i32_0 = arith.constant 0 : i32
    return %arg0, %c0_i32 : i32, i32
  }
  func.func @transform_9(%arg0: i32) -> (i32, i32) {
    %c0_i32 = arith.constant 0 : i32
    %c0_i32_0 = arith.constant 0 : i32
    %c0_i32_1 = arith.constant 0 : i32
    return %c0_i32, %c0_i32_0 : i32, i32
  }
  func.func @transform_10(%arg0: i32) -> (i32, i32) {
    %c0_i32 = arith.constant 0 : i32
    %c0_i32_0 = arith.constant 0 : i32
    %c0_i32_1 = arith.constant 0 : i32
    return %c0_i32, %c0_i32_0 : i32, i32
  }
  func.func @transform_11(%arg0: i32) -> (i32, i32) {
    %c0_i32 = arith.constant 0 : i32
    %c0_i32_0 = arith.constant 0 : i32
    %c0_i32_1 = arith.constant 0 : i32
    return %c0_i32, %c0_i32_0 : i32, i32
  }
}

</mosaic_0001>

<sc_bundles>
// kernel: kernel.11.cloned.1.call-start
scs
__scs_entry_jumppad:
0x0: {  	(pc) =	sbr.rel $0x88, $3  }
0x1: {  	(tag) =	ssettag $0x0;
	lr =	simm.s32 $0x1  }
0x2: {  	[smem:$0x3F90] =	sst lr;
	_ =	strace $0xD0000000  }
0x3: {  	_ = 	snop  }
0x4: {  	_ = 	snop  }
0x5: {  	_ = 	snop  }
0x6: {  	_ = 	snop  }
0x7: {  	_ = 	snop  }
__scs_overlays_trampoline_lowered:
0x8: {  	[smem:$0x3F9F] =	sst s0  }
0x9: {  	[smem:$0x3FA0] =	sst s1  }
0xa: {  	[smem:$0x3FA1] =	sst s2  }
0xb: {  	[smem:$0x3FA2] =	sst s3  }
0xc: {  	[smem:$0x3FA3] =	sst s4  }
0xd: {  	[smem:$0x3FA4] =	sst s5  }
0xe: {  	[smem:$0x3FA5] =	sst s6  }
0xf: {  	[smem:$0x3FA6] =	sst s7  }
0x10: {  	[smem:$0x3FA7] =	sst s8  }
0x11: {  	[smem:$0x3FA8] =	sst s9;
	s0 =	simm.s32 @!p0 $0x0  }
0x12: {  	s1 =	sld [smem:$0x3F8E];
	s0 =	simm.s32 @p0 $0x1  }
0x13: {  	[smem:$0x3FA9] =	sst s0;
	s0 =	simm.s32 @!p1 $0x0  }
0x14: {  	s2 =	sld [smem:$0x3F8D];
	s0 =	simm.s32 @p1 $0x1  }
0x15: {  	[smem:$0x3FAA] =	sst s0;
	s0 =	simm.s32 @!p2 $0x0  }
0x16: {  	s3 =	sld [smem:$0x3FDB];
	s0 =	simm.s32 @p2 $0x1  }
0x17: {  	s4 =	simm.s32 $0x1BF5;
	[smem:$0x3FAC] =	sst s0  }
0x18: {  	s0 =	sld [smem:$0x3F8F];
	_ =	swait.ge [sflag:s4], $0x0  }
0x19: {  	s7 =	sld [smem:$0x3F90]  }
0x1a: {  	s8 =	sadd.s32 $0xFFFFE003, lr  }
0x1b: {  	s9 =	sadd.s32 $0xFFFFFEF7, lr;
	s5 =	simm.s32 $0xFFFFFFFF;
	p2 =	slt.u32 s8, $0xFFFFF086  }
0x1c: {  	p1 =	slt.u32 s9, $0xF7A;
	s5 =	simm.s32 @!p2 $0x0  }
0x1d: {  	s5 =	simm.s32 @p1 $0x1;
	p0 =	seq.s32 s7, s2  }
0x1e: {  	s7 =	smul.u32 @!p0 $0xF7A, s2;
	p2 =	seq.s32 @!p0 s5, $0x0  }
0x1f: {  	s9 =	smul.u32 $0xF7A, s1;
	s8 =	simm.s32 @!p0 $0x1BF5;
	p2 =	por !p2, p0  }
0x20: {  	[sflag:s8] =	ssyncset.s32 @!p0 $0xFFFFF086;
	s6 =	sadd.s32 @!p0 s3, s7;
	s7 =	simm.s32 @!p0 $0x108  }
0x21: {  	s3 =	sadd.s32 s3, s9;
	s6 =	sadd.s32 @!p0 $0x88, s6;
	s7 =	simm.s32 @p2 $0x1082  }
0x22: {  	[simem:s7], [sflag:s8] =	dma.local @!p0 [hbm:s6], $0xF7A  }
0x23: {  	s9 =	sor.u32 $0xD0000000, s2;
	s6 =	simm.s32 $0x108;
	_ =	swait.ge @!p0 [sflag:s8], $0x0  }
0x24: {  	s3 =	sadd.s32 $0x88, s3;
	s6 =	simm.s32 @!p1 $0x1082;
	[sflag:s4] =	ssyncset.s32 $0xFFFFF086  }
0x25: {  	[simem:s6], [sflag:s4] =	dma.local [hbm:s3], $0xF7A  }
0x26: {  	[smem:$0x3F90] =	sst s1;
	(tag) =	ssettag s2;
	_ =	strace s9  }
0x27: {  	s1 =	sld [smem:$0x3FA0]  }
0x28: {  	s2 =	sld [smem:$0x3FA1]  }
0x29: {  	s4 =	sld [smem:$0x3FA3]  }
0x2a: {  	p0 =	seq.s32 s5, $0x0;
	s5 =	sld [smem:$0x3FA4]  }
0x2b: {  	s6 =	sld [smem:$0x3FA5]  }
0x2c: {  	s7 =	sld [smem:$0x3FA6]  }
0x2d: {  	s3 =	simm.s32 $0x108;
	s8 =	sld [smem:$0x3FA7]  }
0x2e: {  	s3 =	simm.s32 @!p0 $0x1082;
	s9 =	sld [smem:$0x3FA8]  }
0x2f: {  	lr =	sadd.s32 s0, s3;
	s0 =	sld [smem:$0x3F9F]  }
0x30: {  	s3 =	sld [smem:$0x3FA2]  }
0x31: {  	[smem:$0x3FAB] =	sst s10  }
0x32: {  	s10 =	sld [smem:$0x3FA9];
	_ =	sdelay $0x3  }
0x33: {  	p0 =	seq.s32 s10, $0x1;
	s10 =	sld [smem:$0x3FAB];
	_ =	sdelay $0x3  }
0x34: {  	[smem:$0x3FAB] =	sst s10  }
0x35: {  	s10 =	sld [smem:$0x3FAA];
	_ =	sdelay $0x3  }
0x36: {  	p1 =	seq.s32 s10, $0x1;
	s10 =	sld [smem:$0x3FAB];
	_ =	sdelay $0x3  }
0x37: {  	[smem:$0x3FAB] =	sst s10  }
0x38: {  	s10 =	sld [smem:$0x3FAC]  }
0x39: {  	_ = 	snop;
	(pc) =	sbr.ind lr, $3  }
0x3a: {  	_ = 	snop  }
0x3b: {  	_ = 	snop  }
0x3c: {  	p2 =	seq.s32 s10, $0x1;
	s10 =	sld [smem:$0x3FAB]  }
0x3d: {  	_ =	shalt  }
0x3e: {  	_ =	shalt  }
0x3f: {  	_ =	shalt  }
0x40: {  	_ =	shalt  }
0x41: {  	_ =	shalt  }
0x42: {  	_ =	shalt  }
0x43: {  	_ =	shalt  }
0x44: {  	_ =	shalt  }
0x45: {  	_ =	shalt  }
0x46: {  	_ =	shalt  }
0x47: {  	_ =	shalt  }
0x48: {  	_ =	shalt  }
0x49: {  	_ =	shalt  }
0x4a: {  	_ =	shalt  }
0x4b: {  	_ =	shalt  }
0x4c: {  	_ =	shalt  }
0x4d: {  	_ =	shalt  }
0x4e: {  	_ =	shalt  }
0x4f: {  	_ =	shalt  }
0x50: {  	_ =	shalt  }
0x51: {  	_ =	shalt  }
0x52: {  	_ =	shalt  }
0x53: {  	_ =	shalt  }
0x54: {  	_ =	shalt  }
0x55: {  	_ =	shalt  }
0x56: {  	_ =	shalt  }
0x57: {  	_ =	shalt  }
0x58: {  	_ =	shalt  }
0x59: {  	_ =	shalt  }
0x5a: {  	_ =	shalt  }
0x5b: {  	_ =	shalt  }
0x5c: {  	_ =	shalt  }
0x5d: {  	_ =	shalt  }
0x5e: {  	_ =	shalt  }
0x5f: {  	_ =	shalt  }
0x60: {  	_ =	shalt  }
0x61: {  	_ =	shalt  }
0x62: {  	_ =	shalt  }
0x63: {  	_ =	shalt  }
0x64: {  	_ =	shalt  }
0x65: {  	_ =	shalt  }
0x66: {  	_ =	shalt  }
0x67: {  	_ =	shalt  }
0x68: {  	_ =	shalt  }
0x69: {  	_ =	shalt  }
0x6a: {  	_ =	shalt  }
0x6b: {  	_ =	shalt  }
0x6c: {  	_ =	shalt  }
0x6d: {  	_ =	shalt  }
0x6e: {  	_ =	shalt  }
0x6f: {  	_ =	shalt  }
0x70: {  	_ =	shalt  }
0x71: {  	_ =	shalt  }
0x72: {  	_ =	shalt  }
0x73: {  	_ =	shalt  }
0x74: {  	_ =	shalt  }
0x75: {  	_ =	shalt  }
0x76: {  	_ =	shalt  }
0x77: {  	_ =	shalt  }
0x78: {  	_ =	shalt  }
0x79: {  	_ =	shalt  }
0x7a: {  	_ =	shalt  }
0x7b: {  	_ =	shalt  }
0x7c: {  	_ =	shalt  }
0x7d: {  	_ =	shalt  }
0x7e: {  	_ =	shalt  }
0x7f: {  	_ =	shalt  }
0x80: {  	_ =	shalt  }
0x81: {  	_ =	shalt  }
0x82: {  	_ =	shalt  }
0x83: {  	_ =	shalt  }
0x84: {  	_ =	shalt  }
0x85: {  	_ =	shalt  }
0x86: {  	_ =	shalt  }
0x87: {  	_ =	shalt  }
.Lfunc_end0:
.L_simem_size_0:
called_computation.1_lowered:
.L_overlay_start_0:
0x88: {  	s2 =	sld [smem:$0x3FD9]  }
0x89: {  	s3 =	sld [smem:$0x3FFE];
	_ =	sdelay $0x1  }
0x8a: {  	s1 =	srdreg.scid  }
0x8b: {  	s0 =	sand.u32 $0x1, s1  }
0x8c: {  	s16 =	sshll.u32 s0, $0xA;
	s2 =	sadd.s32 s3, s2  }
0x8d: {  	s2 =	sadd.s32 s2, s16  }
0x8e: {  	[smem:$0x3FB7] =	sst s2  }
0x8f: {  	_ = 	snop  }
0x90: {  	(tm) =	ssettm $0x1  }
0x91: {  	s17 =	sld [smem:$0x3FFB];
	_ =	sdelay $0x3  }
0x92: {  	_ =	strace s17  }
0x93: {  	s2 =	sld [smem:$0x3FFC];
	_ =	sdelay $0x3  }
0x94: {  	_ =	strace s2  }
0x95: {  	s2 =	sld [smem:$0x3FFD];
	_ =	sdelay $0x3  }
0x96: {  	_ =	strace s2  }
0x97: {  	_ =	strace $0x8FFFFFFF  }
0x98: {  	s18 =	sld [smem:$0x3FDB];
	_ =	sdelay $0x1  }
0x99: {  	s19 =	simm.s32 $_scs_section_size  }
0x9a: {  	s4 =	simm.s32 $_size__tile_overlayer_lowered;
	s5 =	simm.s32 $_tile_overlayer_lowered  }
0x9b: {  	s22 =	simm.s32 $0x1BFF;
	s21 =	sshll.u32 s5, $0x1;
	s2 =	sadd.s32 s19, s18  }
0x9c: {  	s6 =	simm.s32 $0x0;
	s20 =	sshll.u32 s4, $0x1;
	s4 =	sadd.s32 s21, s2  }
0x9d: {  	[timem:s6], [sflag:s22] =	dma.local [hbm:s4], s20  }
0x9e: {  	_ =	swait.ge [sflag:s22], s20  }
0x9f: {  	s3 =	ssub.s32 $0x0, s20;
	[sflag:s22] =	ssyncset.done $0x0  }
0xa0: {  	[sflag:s22] =	ssyncadd.s32 s3;
	_ =	sdelay $0x1  }
0xa1: {  	s23 =	simm.s32 $0x1B8B  }
0xa2: {  	_ =	swait.ge [sflag:s23], $0x1  }
0xa3: {  	[sflag:s23] =	ssyncset.done $0x0  }
0xa4: {  	s25 =	simm.s32 $0x1B8E;
	s24 =	sld [smem:$0x3FFE];
	[sflag:s23] =	ssyncadd.s32 $0xFFFFFFFF  }
0xa5: {  	s26 =	simm.s32 $execute0_lowered;
	[smem:$0x3FD2] =	sst s25  }
0xa6: {  	s4 =	sshll.u32 s26, $0x1;
	_ =	strace $0x80000049;
	[dreg:$0x1] =	wrdreg $0xFFFFFFFF  }
0xa7: {  	s28 =	simm.s32 $_size_execute0_lowered;
	s2 =	sadd.s32 s2, s4;
	[dreg:$0x0] =	wrdreg $0x0  }
0xa8: {  	s4 =	sshll.u32 s28, $0x1;
	[dreg:$0x2] =	wrdreg s2  }
0xa9: {  	[dreg:$0x3] =	wrdreg s4  }
0xaa: {  	[dreg:$0x4] =	wrdreg $0xC0  }
0xab: {  	_ =	task [dreg:s6], $0x5FFFF  }
0xac: {  	[dreg:$0x1] =	wrdreg $0xFFFFFFFF  }
0xad: {  	[dreg:$0x0] =	wrdreg $0x60  }
0xae: {  	[dreg:$0x2] =	wrdreg s24  }
0xaf: {  	[dreg:$0x3] =	wrdreg $0xA8000  }
0xb0: {  	[dreg:$0x4] =	wrdreg $0x9  }
0xb1: {  	_ =	task.clear_ibuf [dreg:s6], $0x5FFFF;
	_ =	strace $0x90000049  }
0xb2: {  	s29 =	simm.s32 $0x9;
	_ =	strace $0x8000004B  }
0xb3: {  	_ =	swait.ge [sflag:s29], $0x1  }
0xb4: {  	[sflag:s29] =	ssyncadd.s32 $0xFFFFFFFF  }
0xb5: {  	_ =	strace $0x9000004B  }
0xb6: {  	_ =	sfence  }
0xb7: {  	s30 =	sld [smem:$0x0];
	_ =	sdelay $0x2  }
0xb8: {  	s31 =	sshll.u32 s1, $0xD;
	s1 =	sshrl.u32 s1, $0x2  }
0xb9: {  	s3 =	sand.u32 $0x4000, s31;
	s1 =	sadd.s32 s1, s30  }
0xba: {  	s0 =	sor.u32 s3, s0;
	s1 =	sshll.u32 s1, $0x11  }
0xbb: {  	s0 =	sor.u32 s1, s0  }
0xbc: {  	s0 =	sadd.s32 $0x8F2B, s0  }
0xbd: {  	[sflag:s0] =	ssyncadd.remote.s32 $0x1  }
0xbe: {  	_ =	sfence.sel $0xFFFF  }
0xbf: {  	[dreg:$0x0] =	wrdreg $0xFFFFFFFF;
	(pc) =	sbr.abs _section_cstart, $3  }
0xc0: {  	[dreg:$0x1] =	wrdreg $0xFFFFFFFF  }
0xc1: {  	_ =	task.clear_ibuf [dreg:s6], $0x2FFFF;
	_ =	strace $0x9FFFFFFF  }
0xc2: {  	(tm) =	ssettm $0x7FFFFFFF  }
0xc3: {  	_ =	shalt  }
tec
execute0_lowered:
.L_overlay_start_1:
0x0: {  	(tag) =	ssettag $0x1  }
0x1: {  	s5 =	rddreg [dreg:$0x0]  }
0x2: {  	s2 =	rddreg [dreg:$0x1]  }
0x3: {  	s0 =	rddreg [dreg:$0x2]  }
0x4: {  	s1 =	stileid.u32;
	s4 =	srdreg.scid;
	s3 =	simm.s32 $0x0  }
0x5: {  	s16 =	simm.s32 $0x80;
	s17 =	simm.s32 $0x2800;
	s18 =	simm.s32 $0x6800  }
0x6: {  	s19 =	simm.s32 $0x1;
	s20 =	simm.s32 $0x2;
	s21 =	simm.s32 $0x1380  }
0x7: {  	s22 =	simm.s32 $0x2700;
	s23 =	simm.s32 $0x2780;
	s24 =	simm.s32 $0x0  }
0x8: {  	s6 =	smul.u32 $0x14000, s1;
	s7 =	sand.u32 $0x1, s4;
	[smem:$0x7FF] =	sst s3  }
0x9: {  	s11 =	sadd.s32 $0xDC00, s5;
	s12 =	sadd.s32 $0x3C00, s5;
	s26 =	smul.u32 $0x50000, s1  }
0xa: {  	s13 =	sshll.u32 s1, $0x1;
	s31 =	sshll.u32 s1, $0x6;
	s4 =	smul.u32 $0x140000, s7  }
0xb: {  	_ =	strace $0x8000004A;
	s25 =	ssub.s32 $0x2, s7;
	s7 =	sshll.u32 s7, $0x5  }
0xc: {  	s8 =	sshrl.u32 s6, $0x3;
	s10 =	sshrl.u32 s25, $0x1;
	s28 =	sshrl.u32 s26, $0x2  }
0xd: {  	s29 =	sor.u32 s7, s13;
	s6 =	sadd.s32 s6, s4;
	s4 =	sadd.s32 $0x40400, s5  }
0xe: {  	s8 =	sadd.s32 s8, s5;
	s10 =	ssub.s32 s25, s10;
	s30 =	sadd.s32 s28, s2  }
0xf: {  	s14 =	smul.u32 $0x280, s29;
	s6 =	sshrl.u32 s6, $0x3;
	s13 =	sshrl.u32 s30, $0x3  }
0x10: {  	s9 =	sadd.s32 s6, s5;
	s5 =	sadd.s32 $0x18400, s8;
	s6 =	sor.u32 $0x1C03, s31  }
0x11: {  	s8 =	smax.u32 s10, $0x1;
	s15 =	sadd.s32 $0x280, s14;
	s10 =	sadd.s32 s12, s14  }
0x12: {  	s7 =	sadd.s32 $0x68400, s9;
	s9 =	sadd.s32 s11, s14;
	s11 =	sadd.s32 s11, s15  }
0x13: {  	s12 =	sadd.s32 s12, s15;
	s14 =	simm.s32 $0x3;
	s15 =	simm.s32 $0x1400  }
.LBB2_1:
0x14: {  	[spmem:s13], [sflag:s6] =	dma.local [hbm:s5], $0x2800  }
0x15: {  	_ =	swait.ge [sflag:s14], $0x2800  }
0x16: {  	[sflag:s14] =	ssyncset.done $0x0  }
0x17: {  	[sflag:s14] =	ssyncadd.s32 $0xFFFFD800  }
0x18: {  	[bflag:$0x0] =	sbarrier.arrive $0xFFFF  }
0x19: {  	[tilespmem:s3], [sflag:$0x3] =	stream.linear.gather [hbm4b:s9+s3], $0x1400, $0x38;
	[tilespmem:$0x1E800] =	vst v63  }
0x1a: {  	_ =	swait.ge [sflag:s14], $0x1400  }
0x1b: {  	[sflag:s14] =	ssyncset.done $0x0  }
0x1c: {  	[sflag:s14] =	ssyncadd.s32 $0xFFFFEC00  }
0x1d: {  	[tilespmem:s15], [sflag:$0x3] =	stream.linear.gather [hbm4b:s10+s3], $0x1400, $0x38;
	[tilespmem:$0x1E800] =	vst v63  }
0x1e: {  	_ =	swait.ge [sflag:s14], $0x1400  }
0x1f: {  	[sflag:s14] =	ssyncset.done $0x0  }
0x20: {  	[sflag:s14] =	ssyncadd.s32 $0xFFFFEC00  }
0x21: {  	[tilespmem:s17], [sflag:$0x1] =	stream.indirect.gather [hbm4b:s4+s16], $0x80, s3, s16, $0xb8;
	[tilespmem:$0x1E800] =	vst v63  }
0x22: {  	s25 =	simm.s32 $0x80  }
0x23: {  	[tilespmem:s18], [sflag:$0x2] =	stream.indirect.gather [hbm4b:s4+s16], $0x80, s25, s16, $0xb8;
	[tilespmem:$0x1E800] =	vst v63  }
0x24: {  	_ =	swait.ge [sflag:s19], $0x4000  }
0x25: {  	[sflag:s19] =	ssyncset.done $0x0  }
0x26: {  	s29 =	simm.s32 $0x1400;
	[sflag:s19] =	ssyncadd.s32 $0xFFFFC000  }
0x27: {  	[spmem:s2] =	stream.indirect.scatter.add.f32 [tilespmem:s17], [sflag:$0x3], $0x80, s29, s16, $0xb8;
	[tilespmem:$0x1E800] =	vst v63  }
0x28: {  	_ =	swait.ge [sflag:s14], $0x4000  }
0x29: {  	[sflag:s14] =	ssyncset.done $0x0  }
0x2a: {  	s30 =	simm.s32 $0x100;
	[sflag:s14] =	ssyncadd.s32 $0xFFFFC000  }
0x2b: {  	[tilespmem:s17], [sflag:$0x1] =	stream.indirect.gather [hbm4b:s4+s16], $0x80, s30, s16, $0xb8;
	[tilespmem:$0x1E800] =	vst v63  }
0x2c: {  	_ =	swait.ge [sflag:s20], $0x4000  }
0x2d: {  	[sflag:s20] =	ssyncset.done $0x0  }
0x2e: {  	s31 =	simm.s32 $0x1480;
	[sflag:s20] =	ssyncadd.s32 $0xFFFFC000  }
0x2f: {  	[spmem:s2] =	stream.indirect.scatter.add.f32 [tilespmem:s18], [sflag:$0x3], $0x80, s31, s16, $0xb8;
	[tilespmem:$0x1E800] =	vst v63  }
0x30: {  	_ =	swait.ge [sflag:s14], $0x4000  }
0x31: {  	s26 =	simm.s32 $0x800;
	s25 =	simm.s32 $0x100;
	[sflag:s14] =	ssyncset.done $0x0  }
.LBB2_2:
0x32: {  	s28 =	sadd.s32 $0x80, s25  }
0x33: {  	[sflag:s14] =	ssyncadd.s32 $0xFFFFC000;
	s29 =	smov.u32 s26;
	s30 =	sadd.s32 $0x400, s26  }
0x34: {  	[tilespmem:s18], [sflag:$0x2] =	stream.indirect.gather [hbm4b:s4+s16], $0x80, s28, s16, $0xb8;
	[tilespmem:$0x1E800] =	vst v63  }
0x35: {  	p0 =	sne.s32 s26, $0x4800;
	_ =	swait.ge [sflag:s19], $0x4000  }
0x36: {  	[sflag:s19] =	ssyncset.done $0x0  }
0x37: {  	s26 =	sadd.s32 $0x1400, s25;
	[sflag:s19] =	ssyncadd.s32 $0xFFFFC000  }
0x38: {  	[spmem:s2] =	stream.indirect.scatter.add.f32 [tilespmem:s17], [sflag:$0x3], $0x80, s26, s16, $0xb8;
	[tilespmem:$0x1E800] =	vst v63  }
0x39: {  	_ =	swait.ge [sflag:s14], $0x4000  }
0x3a: {  	[sflag:s14] =	ssyncset.done $0x0  }
0x3b: {  	s26 =	sadd.s32 $0x100, s25;
	[sflag:s14] =	ssyncadd.s32 $0xFFFFC000  }
0x3c: {  	[tilespmem:s17], [sflag:$0x1] =	stream.indirect.gather [hbm4b:s4+s16], $0x80, s26, s16, $0xb8;
	[tilespmem:$0x1E800] =	vst v63  }
0x3d: {  	_ =	swait.ge [sflag:s20], $0x4000  }
.Ltmp0:
0x3e: {  	[sflag:s20] =	ssyncset.done $0x0;
	(pc) =	sbr.rel @p0 .LBB2_2-.Ltmp0, $4  }
0x3f: {  	s25 =	sadd.s32 $0x1480, s25;
	[sflag:s20] =	ssyncadd.s32 $0xFFFFC000  }
0x40: {  	[spmem:s2] =	stream.indirect.scatter.add.f32 [tilespmem:s18], [sflag:$0x3], $0x80, s25, s16, $0xb8;
	[tilespmem:$0x1E800] =	vst v63  }
0x41: {  	_ =	swait.ge [sflag:s14], $0x4000  }
0x42: {  	s26 =	smov.u32 s30;
	s25 =	sshra.s32 s29, $0x2;
	[sflag:s14] =	ssyncset.done $0x0  }
0x43: {  	s26 =	sadd.s32 $0x80, s25;
	[sflag:s14] =	ssyncadd.s32 $0xFFFFC000  }
0x44: {  	[tilespmem:s18], [sflag:$0x2] =	stream.indirect.gather [hbm4b:s4+s16], $0x80, s26, s16, $0xb8;
	[tilespmem:$0x1E800] =	vst v63  }
0x45: {  	_ =	swait.ge [sflag:s19], $0x4000  }
0x46: {  	[sflag:s19] =	ssyncset.done $0x0  }
0x47: {  	s29 =	sadd.s32 $0x1400, s25;
	[sflag:s19] =	ssyncadd.s32 $0xFFFFC000  }
0x48: {  	[spmem:s2] =	stream.indirect.scatter.add.f32 [tilespmem:s17], [sflag:$0x3], $0x80, s29, s16, $0xb8;
	[tilespmem:$0x1E800] =	vst v63  }
0x49: {  	_ =	swait.ge [sflag:s14], $0x4000  }
0x4a: {  	[sflag:s14] =	ssyncset.done $0x0  }
0x4b: {  	s30 =	sadd.s32 $0x100, s25;
	[sflag:s14] =	ssyncadd.s32 $0xFFFFC000  }
0x4c: {  	[tilespmem:s17], [sflag:$0x1] =	stream.indirect.gather [hbm4b:s4+s16], $0x80, s30, s16, $0xb8;
	[tilespmem:$0x1E800] =	vst v63  }
0x4d: {  	_ =	swait.ge [sflag:s20], $0x4000  }
0x4e: {  	[sflag:s20] =	ssyncset.done $0x0  }
0x4f: {  	s31 =	sadd.s32 $0x1480, s25;
	[sflag:s20] =	ssyncadd.s32 $0xFFFFC000  }
0x50: {  	[spmem:s2] =	stream.indirect.scatter.add.f32 [tilespmem:s18], [sflag:$0x3], $0x80, s31, s16, $0xb8;
	[tilespmem:$0x1E800] =	vst v63  }
0x51: {  	_ =	swait.ge [sflag:s14], $0x4000  }
0x52: {  	[sflag:s14] =	ssyncset.done $0x0  }
0x53: {  	[sflag:s14] =	ssyncadd.s32 $0xFFFFC000  }
0x54: {  	[tilespmem:s18], [sflag:$0x2] =	stream.indirect.gather [hbm4b:s4+s16], $0x80, s21, s16, $0xb8;
	[tilespmem:$0x1E800] =	vst v63  }
0x55: {  	_ =	swait.ge [sflag:s19], $0x4000  }
0x56: {  	[sflag:s19] =	ssyncset.done $0x0  }
0x57: {  	[sflag:s19] =	ssyncadd.s32 $0xFFFFC000  }
0x58: {  	[spmem:s2] =	stream.indirect.scatter.add.f32 [tilespmem:s17], [sflag:$0x3], $0x80, s22, s16, $0xb8;
	[tilespmem:$0x1E800] =	vst v63  }
0x59: {  	_ =	swait.ge [sflag:s14], $0x4000  }
0x5a: {  	[sflag:s14] =	ssyncset.done $0x0  }
0x5b: {  	[sflag:s14] =	ssyncadd.s32 $0xFFFFC000  }
0x5c: {  	_ =	swait.ge [sflag:s20], $0x4000  }
0x5d: {  	[sflag:s20] =	ssyncset.done $0x0  }
0x5e: {  	[sflag:s20] =	ssyncadd.s32 $0xFFFFC000  }
0x5f: {  	[spmem:s2] =	stream.indirect.scatter.add.f32 [tilespmem:s18], [sflag:$0x3], $0x80, s23, s16, $0xb8;
	[tilespmem:$0x1E800] =	vst v63  }
0x60: {  	_ =	swait.ge [sflag:s14], $0x4000  }
0x61: {  	[sflag:s14] =	ssyncset.done $0x0  }
0x62: {  	s26 =	simm.s32 $0x0;
	[sflag:s14] =	ssyncadd.s32 $0xFFFFC000  }
0x63: {  	[tilespmem:s26], [sflag:$0x3] =	stream.linear.gather [hbm4b:s11+s26], $0x1400, $0x38;
	[tilespmem:$0x1E800] =	vst v63  }
0x64: {  	_ =	swait.ge [sflag:s14], $0x1400  }
0x65: {  	[sflag:s14] =	ssyncset.done $0x0  }
0x66: {  	[sflag:s14] =	ssyncadd.s32 $0xFFFFEC00  }
0x67: {  	[tilespmem:s15], [sflag:$0x3] =	stream.linear.gather [hbm4b:s12+s26], $0x1400, $0x38;
	[tilespmem:$0x1E800] =	vst v63  }
0x68: {  	_ =	swait.ge [sflag:s14], $0x1400  }
0x69: {  	[sflag:s14] =	ssyncset.done $0x0  }
0x6a: {  	[sflag:s14] =	ssyncadd.s32 $0xFFFFEC00  }
0x6b: {  	[tilespmem:s17], [sflag:$0x1] =	stream.indirect.gather [hbm4b:s4+s16], $0x80, s26, s16, $0xb8;
	[tilespmem:$0x1E800] =	vst v63  }
0x6c: {  	s28 =	simm.s32 $0x80  }
0x6d: {  	[tilespmem:s18], [sflag:$0x2] =	stream.indirect.gather [hbm4b:s4+s16], $0x80, s28, s16, $0xb8;
	[tilespmem:$0x1E800] =	vst v63  }
0x6e: {  	_ =	swait.ge [sflag:s19], $0x4000  }
0x6f: {  	[sflag:s19] =	ssyncset.done $0x0  }
0x70: {  	s29 =	simm.s32 $0x1400;
	[sflag:s19] =	ssyncadd.s32 $0xFFFFC000  }
0x71: {  	[spmem:s2] =	stream.indirect.scatter.add.f32 [tilespmem:s17], [sflag:$0x3], $0x80, s29, s16, $0xb8;
	[tilespmem:$0x1E800] =	vst v63  }
0x72: {  	_ =	swait.ge [sflag:s14], $0x4000  }
0x73: {  	[sflag:s14] =	ssyncset.done $0x0  }
0x74: {  	s30 =	simm.s32 $0x100;
	[sflag:s14] =	ssyncadd.s32 $0xFFFFC000  }
0x75: {  	[tilespmem:s17], [sflag:$0x1] =	stream.indirect.gather [hbm4b:s4+s16], $0x80, s30, s16, $0xb8;
	[tilespmem:$0x1E800] =	vst v63  }
0x76: {  	_ =	swait.ge [sflag:s20], $0x4000  }
0x77: {  	[sflag:s20] =	ssyncset.done $0x0  }
0x78: {  	s31 =	simm.s32 $0x1480;
	[sflag:s20] =	ssyncadd.s32 $0xFFFFC000  }
0x79: {  	[spmem:s2] =	stream.indirect.scatter.add.f32 [tilespmem:s18], [sflag:$0x3], $0x80, s31, s16, $0xb8;
	[tilespmem:$0x1E800] =	vst v63  }
0x7a: {  	_ =	swait.ge [sflag:s14], $0x4000  }
0x7b: {  	s25 =	simm.s32 $0x100;
	s26 =	simm.s32 $0x800;
	[sflag:s14] =	ssyncset.done $0x0  }
.LBB2_4:
0x7c: {  	s28 =	sadd.s32 $0x80, s25  }
0x7d: {  	[sflag:s14] =	ssyncadd.s32 $0xFFFFC000;
	s29 =	smov.u32 s26;
	s30 =	sadd.s32 $0x400, s26  }
0x7e: {  	[tilespmem:s18], [sflag:$0x2] =	stream.indirect.gather [hbm4b:s4+s16], $0x80, s28, s16, $0xb8;
	[tilespmem:$0x1E800] =	vst v63  }
0x7f: {  	p0 =	sne.s32 s26, $0x4800;
	_ =	swait.ge [sflag:s19], $0x4000  }
0x80: {  	[sflag:s19] =	ssyncset.done $0x0  }
0x81: {  	s26 =	sadd.s32 $0x1400, s25;
	[sflag:s19] =	ssyncadd.s32 $0xFFFFC000  }
0x82: {  	[spmem:s2] =	stream.indirect.scatter.add.f32 [tilespmem:s17], [sflag:$0x3], $0x80, s26, s16, $0xb8;
	[tilespmem:$0x1E800] =	vst v63  }
0x83: {  	_ =	swait.ge [sflag:s14], $0x4000  }
0x84: {  	[sflag:s14] =	ssyncset.done $0x0  }
0x85: {  	s26 =	sadd.s32 $0x100, s25;
	[sflag:s14] =	ssyncadd.s32 $0xFFFFC000  }
0x86: {  	[tilespmem:s17], [sflag:$0x1] =	stream.indirect.gather [hbm4b:s4+s16], $0x80, s26, s16, $0xb8;
	[tilespmem:$0x1E800] =	vst v63  }
0x87: {  	_ =	swait.ge [sflag:s20], $0x4000  }
.Ltmp1:
0x88: {  	[sflag:s20] =	ssyncset.done $0x0;
	(pc) =	sbr.rel @p0 .LBB2_4-.Ltmp1, $4  }
0x89: {  	s25 =	sadd.s32 $0x1480, s25;
	[sflag:s20] =	ssyncadd.s32 $0xFFFFC000  }
0x8a: {  	[spmem:s2] =	stream.indirect.scatter.add.f32 [tilespmem:s18], [sflag:$0x3], $0x80, s25, s16, $0xb8;
	[tilespmem:$0x1E800] =	vst v63  }
0x8b: {  	_ =	swait.ge [sflag:s14], $0x4000  }
0x8c: {  	s26 =	smov.u32 s30;
	s25 =	sshra.s32 s29, $0x2;
	[sflag:s14] =	ssyncset.done $0x0  }
0x8d: {  	s26 =	sadd.s32 $0x80, s25;
	[sflag:s14] =	ssyncadd.s32 $0xFFFFC000  }
0x8e: {  	[tilespmem:s18], [sflag:$0x2] =	stream.indirect.gather [hbm4b:s4+s16], $0x80, s26, s16, $0xb8;
	[tilespmem:$0x1E800] =	vst v63  }
0x8f: {  	_ =	swait.ge [sflag:s19], $0x4000  }
0x90: {  	[sflag:s19] =	ssyncset.done $0x0  }
0x91: {  	s29 =	sadd.s32 $0x1400, s25;
	[sflag:s19] =	ssyncadd.s32 $0xFFFFC000  }
0x92: {  	[spmem:s2] =	stream.indirect.scatter.add.f32 [tilespmem:s17], [sflag:$0x3], $0x80, s29, s16, $0xb8;
	[tilespmem:$0x1E800] =	vst v63  }
0x93: {  	_ =	swait.ge [sflag:s14], $0x4000  }
0x94: {  	[sflag:s14] =	ssyncset.done $0x0  }
0x95: {  	s30 =	sadd.s32 $0x100, s25;
	[sflag:s14] =	ssyncadd.s32 $0xFFFFC000  }
0x96: {  	[tilespmem:s17], [sflag:$0x1] =	stream.indirect.gather [hbm4b:s4+s16], $0x80, s30, s16, $0xb8;
	[tilespmem:$0x1E800] =	vst v63  }
0x97: {  	_ =	swait.ge [sflag:s20], $0x4000  }
0x98: {  	[sflag:s20] =	ssyncset.done $0x0  }
0x99: {  	s31 =	sadd.s32 $0x1480, s25;
	[sflag:s20] =	ssyncadd.s32 $0xFFFFC000  }
0x9a: {  	[spmem:s2] =	stream.indirect.scatter.add.f32 [tilespmem:s18], [sflag:$0x3], $0x80, s31, s16, $0xb8;
	[tilespmem:$0x1E800] =	vst v63  }
0x9b: {  	_ =	swait.ge [sflag:s14], $0x4000  }
0x9c: {  	[sflag:s14] =	ssyncset.done $0x0  }
0x9d: {  	[sflag:s14] =	ssyncadd.s32 $0xFFFFC000  }
0x9e: {  	[tilespmem:s18], [sflag:$0x2] =	stream.indirect.gather [hbm4b:s4+s16], $0x80, s21, s16, $0xb8;
	[tilespmem:$0x1E800] =	vst v63  }
0x9f: {  	_ =	swait.ge [sflag:s19], $0x4000  }
0xa0: {  	[sflag:s19] =	ssyncset.done $0x0  }
0xa1: {  	[sflag:s19] =	ssyncadd.s32 $0xFFFFC000  }
0xa2: {  	[spmem:s2] =	stream.indirect.scatter.add.f32 [tilespmem:s17], [sflag:$0x3], $0x80, s22, s16, $0xb8;
	[tilespmem:$0x1E800] =	vst v63  }
0xa3: {  	_ =	swait.ge [sflag:s14], $0x4000  }
0xa4: {  	[sflag:s14] =	ssyncset.done $0x0  }
0xa5: {  	[sflag:s14] =	ssyncadd.s32 $0xFFFFC000  }
0xa6: {  	_ =	swait.ge [sflag:s20], $0x4000  }
0xa7: {  	[sflag:s20] =	ssyncset.done $0x0  }
0xa8: {  	[sflag:s20] =	ssyncadd.s32 $0xFFFFC000  }
0xa9: {  	[spmem:s2] =	stream.indirect.scatter.add.f32 [tilespmem:s18], [sflag:$0x3], $0x80, s23, s16, $0xb8;
	[tilespmem:$0x1E800] =	vst v63  }
0xaa: {  	_ =	swait.ge [sflag:s14], $0x4000  }
0xab: {  	s24 =	sadd.s32 $0x1, s24;
	[sflag:s14] =	ssyncset.done $0x0  }
0xac: {  	p0 =	sne.s32 s24, s8;
	[sflag:s14] =	ssyncadd.s32 $0xFFFFC000  }
.Ltmp2:
0xad: {  	[bflag:$0x0] =	sbarrier.arrive $0xFFFF;
	(pc) =	sbr.rel @p0 .LBB2_1-.Ltmp2, $4  }
0xae: {  	[hbm:s7], [sflag:s6] =	dma.local [spmem:s13], $0x2800  }
0xaf: {  	_ =	swait.ge [sflag:s14], $0x2800  }
0xb0: {  	[sflag:s14] =	ssyncset.done $0x0  }
0xb1: {  	[sflag:s14] =	ssyncadd.s32 $0xFFFFD800  }
0xb2: {  	_ =	sfence.sel $0x180000  }
0xb3: {  	[bflag:$0x0] =	sbarrier.arrive $0xFFFF  }
0xb4: {  	p0 =	sne.s32 s1, $0x0;
	_ =	strace $0x9000004A  }
0xb5: {  	s0 =	sadd.s32 @!p0 $0x100000, s0;
	[bflag:$0x2] =	sbarrier.arrive $0xFFFF  }
0xb6: {  	[sflag:s0] =	ssyncadd.tile.s32 @!p0 $0x1;
	_ =	shalt  }
.Lfunc_end2:
_tile_overlayer_lowered:
.L_overlay_start_2:
0xb7: {  	(tag) =	ssettag $0x2  }
0xb8: {  	s0 =	rddreg [dreg:$0x0];
	s2 =	stileid.u32  }
0xb9: {  	s1 =	rddreg [dreg:$0x1];
	p0 =	sne.s32 s2, $0x0  }
0xba: {  	s3 =	rddreg [dreg:$0x2];
	[bflag:$0x3] =	sbarrier.arrive $0xFFFF;
	s2 =	simm.s32 @!p0 $0x1C03  }
0xbb: {  	[timem:s3], [sflag:s2] =	dma.local @!p0 [hbm:s0], s1  }
0xbc: {  	s0 =	simm.s32 @!p0 $0x3  }
0xbd: {  	_ =	swait.ge @!p0 [sflag:s0], s1  }
0xbe: {  	s1 =	ssub.s32 @!p0 $0x0, s1;
	[sflag:s0] =	ssyncset.done @!p0 $0x0  }
0xbf: {  	[sflag:s0] =	ssyncadd.s32 @!p0 s1  }
0xc0: {  	[bflag:$0x3] =	sbarrier.arrive $0xFFFF  }
0xc1: {  	_ =	shalt  }

// kernel: kernel.14.cloned.1.call-start
scs
__scs_entry_jumppad:
0x0: {  	(pc) =	sbr.rel $0x88, $3  }
0x1: {  	(tag) =	ssettag $0x0;
	lr =	simm.s32 $0x1  }
0x2: {  	[smem:$0x3F90] =	sst lr;
	_ =	strace $0xD0000000  }
0x3: {  	_ = 	snop  }
0x4: {  	_ = 	snop  }
0x5: {  	_ = 	snop  }
0x6: {  	_ = 	snop  }
0x7: {  	_ = 	snop  }
__scs_overlays_trampoline_lowered:
0x8: {  	[smem:$0x3F9F] =	sst s0  }
0x9: {  	[smem:$0x3FA0] =	sst s1  }
0xa: {  	[smem:$0x3FA1] =	sst s2  }
0xb: {  	[smem:$0x3FA2] =	sst s3  }
0xc: {  	[smem:$0x3FA3] =	sst s4  }
0xd: {  	[smem:$0x3FA4] =	sst s5  }
0xe: {  	[smem:$0x3FA5] =	sst s6  }
0xf: {  	[smem:$0x3FA6] =	sst s7  }
0x10: {  	[smem:$0x3FA7] =	sst s8  }
0x11: {  	[smem:$0x3FA8] =	sst s9;
	s0 =	simm.s32 @!p0 $0x0  }
0x12: {  	s1 =	sld [smem:$0x3F8E];
	s0 =	simm.s32 @p0 $0x1  }
0x13: {  	[smem:$0x3FA9] =	sst s0;
	s0 =	simm.s32 @!p1 $0x0  }
0x14: {  	s2 =	sld [smem:$0x3F8D];
	s0 =	simm.s32 @p1 $0x1  }
0x15: {  	[smem:$0x3FAA] =	sst s0;
	s0 =	simm.s32 @!p2 $0x0  }
0x16: {  	s3 =	sld [smem:$0x3FDB];
	s0 =	simm.s32 @p2 $0x1  }
0x17: {  	s4 =	simm.s32 $0x1BF5;
	[smem:$0x3FAC] =	sst s0  }
0x18: {  	s0 =	sld [smem:$0x3F8F];
	_ =	swait.ge [sflag:s4], $0x0  }
0x19: {  	s7 =	sld [smem:$0x3F90]  }
0x1a: {  	s8 =	sadd.s32 $0xFFFFE003, lr  }
0x1b: {  	s9 =	sadd.s32 $0xFFFFFEF7, lr;
	s5 =	simm.s32 $0xFFFFFFFF;
	p2 =	slt.u32 s8, $0xFFFFF086  }
0x1c: {  	p1 =	slt.u32 s9, $0xF7A;
	s5 =	simm.s32 @!p2 $0x0  }
0x1d: {  	s5 =	simm.s32 @p1 $0x1;
	p0 =	seq.s32 s7, s2  }
0x1e: {  	s7 =	smul.u32 @!p0 $0xF7A, s2;
	p2 =	seq.s32 @!p0 s5, $0x0  }
0x1f: {  	s9 =	smul.u32 $0xF7A, s1;
	s8 =	simm.s32 @!p0 $0x1BF5;
	p2 =	por !p2, p0  }
0x20: {  	[sflag:s8] =	ssyncset.s32 @!p0 $0xFFFFF086;
	s6 =	sadd.s32 @!p0 s3, s7;
	s7 =	simm.s32 @!p0 $0x108  }
0x21: {  	s3 =	sadd.s32 s3, s9;
	s6 =	sadd.s32 @!p0 $0x88, s6;
	s7 =	simm.s32 @p2 $0x1082  }
0x22: {  	[simem:s7], [sflag:s8] =	dma.local @!p0 [hbm:s6], $0xF7A  }
0x23: {  	s9 =	sor.u32 $0xD0000000, s2;
	s6 =	simm.s32 $0x108;
	_ =	swait.ge @!p0 [sflag:s8], $0x0  }
0x24: {  	s3 =	sadd.s32 $0x88, s3;
	s6 =	simm.s32 @!p1 $0x1082;
	[sflag:s4] =	ssyncset.s32 $0xFFFFF086  }
0x25: {  	[simem:s6], [sflag:s4] =	dma.local [hbm:s3], $0xF7A  }
0x26: {  	[smem:$0x3F90] =	sst s1;
	(tag) =	ssettag s2;
	_ =	strace s9  }
0x27: {  	s1 =	sld [smem:$0x3FA0]  }
0x28: {  	s2 =	sld [smem:$0x3FA1]  }
0x29: {  	s4 =	sld [smem:$0x3FA3]  }
0x2a: {  	p0 =	seq.s32 s5, $0x0;
	s5 =	sld [smem:$0x3FA4]  }
0x2b: {  	s6 =	sld [smem:$0x3FA5]  }
0x2c: {  	s7 =	sld [smem:$0x3FA6]  }
0x2d: {  	s3 =	simm.s32 $0x108;
	s8 =	sld [smem:$0x3FA7]  }
0x2e: {  	s3 =	simm.s32 @!p0 $0x1082;
	s9 =	sld [smem:$0x3FA8]  }
0x2f: {  	lr =	sadd.s32 s0, s3;
	s0 =	sld [smem:$0x3F9F]  }
0x30: {  	s3 =	sld [smem:$0x3FA2]  }
0x31: {  	[smem:$0x3FAB] =	sst s10  }
0x32: {  	s10 =	sld [smem:$0x3FA9];
	_ =	sdelay $0x3  }
0x33: {  	p0 =	seq.s32 s10, $0x1;
	s10 =	sld [smem:$0x3FAB];
	_ =	sdelay $0x3  }
0x34: {  	[smem:$0x3FAB] =	sst s10  }
0x35: {  	s10 =	sld [smem:$0x3FAA];
	_ =	sdelay $0x3  }
0x36: {  	p1 =	seq.s32 s10, $0x1;
	s10 =	sld [smem:$0x3FAB];
	_ =	sdelay $0x3  }
0x37: {  	[smem:$0x3FAB] =	sst s10  }
0x38: {  	s10 =	sld [smem:$0x3FAC]  }
0x39: {  	_ = 	snop;
	(pc) =	sbr.ind lr, $3  }
0x3a: {  	_ = 	snop  }
0x3b: {  	_ = 	snop  }
0x3c: {  	p2 =	seq.s32 s10, $0x1;
	s10 =	sld [smem:$0x3FAB]  }
0x3d: {  	_ =	shalt  }
0x3e: {  	_ =	shalt  }
0x3f: {  	_ =	shalt  }
0x40: {  	_ =	shalt  }
0x41: {  	_ =	shalt  }
0x42: {  	_ =	shalt  }
0x43: {  	_ =	shalt  }
0x44: {  	_ =	shalt  }
0x45: {  	_ =	shalt  }
0x46: {  	_ =	shalt  }
0x47: {  	_ =	shalt  }
0x48: {  	_ =	shalt  }
0x49: {  	_ =	shalt  }
0x4a: {  	_ =	shalt  }
0x4b: {  	_ =	shalt  }
0x4c: {  	_ =	shalt  }
0x4d: {  	_ =	shalt  }
0x4e: {  	_ =	shalt  }
0x4f: {  	_ =	shalt  }
0x50: {  	_ =	shalt  }
0x51: {  	_ =	shalt  }
0x52: {  	_ =	shalt  }
0x53: {  	_ =	shalt  }
0x54: {  	_ =	shalt  }
0x55: {  	_ =	shalt  }
0x56: {  	_ =	shalt  }
0x57: {  	_ =	shalt  }
0x58: {  	_ =	shalt  }
0x59: {  	_ =	shalt  }
0x5a: {  	_ =	shalt  }
0x5b: {  	_ =	shalt  }
0x5c: {  	_ =	shalt  }
0x5d: {  	_ =	shalt  }
0x5e: {  	_ =	shalt  }
0x5f: {  	_ =	shalt  }
0x60: {  	_ =	shalt  }
0x61: {  	_ =	shalt  }
0x62: {  	_ =	shalt  }
0x63: {  	_ =	shalt  }
0x64: {  	_ =	shalt  }
0x65: {  	_ =	shalt  }
0x66: {  	_ =	shalt  }
0x67: {  	_ =	shalt  }
0x68: {  	_ =	shalt  }
0x69: {  	_ =	shalt  }
0x6a: {  	_ =	shalt  }
0x6b: {  	_ =	shalt  }
0x6c: {  	_ =	shalt  }
0x6d: {  	_ =	shalt  }
0x6e: {  	_ =	shalt  }
0x6f: {  	_ =	shalt  }
0x70: {  	_ =	shalt  }
0x71: {  	_ =	shalt  }
0x72: {  	_ =	shalt  }
0x73: {  	_ =	shalt  }
0x74: {  	_ =	shalt  }
0x75: {  	_ =	shalt  }
0x76: {  	_ =	shalt  }
0x77: {  	_ =	shalt  }
0x78: {  	_ =	shalt  }
0x79: {  	_ =	shalt  }
0x7a: {  	_ =	shalt  }
0x7b: {  	_ =	shalt  }
0x7c: {  	_ =	shalt  }
0x7d: {  	_ =	shalt  }
0x7e: {  	_ =	shalt  }
0x7f: {  	_ =	shalt  }
0x80: {  	_ =	shalt  }
0x81: {  	_ =	shalt  }
0x82: {  	_ =	shalt  }
0x83: {  	_ =	shalt  }
0x84: {  	_ =	shalt  }
0x85: {  	_ =	shalt  }
0x86: {  	_ =	shalt  }
0x87: {  	_ =	shalt  }
.Lfunc_end0:
.L_simem_size_0:
called_computation.2_lowered:
.L_overlay_start_0:
0x88: {  	s2 =	sld [smem:$0x3FD9]  }
0x89: {  	s3 =	sld [smem:$0x3FFE];
	_ =	sdelay $0x1  }
0x8a: {  	s1 =	srdreg.scid  }
0x8b: {  	s0 =	sand.u32 $0x1, s1  }
0x8c: {  	s16 =	sshll.u32 s0, $0xA;
	s2 =	sadd.s32 s3, s2  }
0x8d: {  	s2 =	sadd.s32 s2, s16  }
0x8e: {  	[smem:$0x3FB7] =	sst s2  }
0x8f: {  	_ = 	snop  }
0x90: {  	(tm) =	ssettm $0x1  }
0x91: {  	s17 =	sld [smem:$0x3FFB];
	_ =	sdelay $0x3  }
0x92: {  	_ =	strace s17  }
0x93: {  	s2 =	sld [smem:$0x3FFC];
	_ =	sdelay $0x3  }
0x94: {  	_ =	strace s2  }
0x95: {  	s2 =	sld [smem:$0x3FFD];
	_ =	sdelay $0x3  }
0x96: {  	_ =	strace s2  }
0x97: {  	_ =	strace $0x8FFFFFFF  }
0x98: {  	s18 =	sld [smem:$0x3FDB];
	_ =	sdelay $0x1  }
0x99: {  	s19 =	simm.s32 $_scs_section_size  }
0x9a: {  	s4 =	simm.s32 $_size__tile_overlayer_lowered;
	s5 =	simm.s32 $_tile_overlayer_lowered  }
0x9b: {  	s22 =	simm.s32 $0x1BFF;
	s21 =	sshll.u32 s5, $0x1;
	s2 =	sadd.s32 s19, s18  }
0x9c: {  	s6 =	simm.s32 $0x0;
	s20 =	sshll.u32 s4, $0x1;
	s4 =	sadd.s32 s21, s2  }
0x9d: {  	[timem:s6], [sflag:s22] =	dma.local [hbm:s4], s20  }
0x9e: {  	_ =	swait.ge [sflag:s22], s20  }
0x9f: {  	s3 =	ssub.s32 $0x0, s20;
	[sflag:s22] =	ssyncset.done $0x0  }
0xa0: {  	[sflag:s22] =	ssyncadd.s32 s3;
	_ =	sdelay $0x1  }
0xa1: {  	s23 =	simm.s32 $0x1B8B  }
0xa2: {  	_ =	swait.ge [sflag:s23], $0x1  }
0xa3: {  	[sflag:s23] =	ssyncset.done $0x0  }
0xa4: {  	s25 =	simm.s32 $0x1B8E;
	s24 =	sld [smem:$0x3FFE];
	[sflag:s23] =	ssyncadd.s32 $0xFFFFFFFF  }
0xa5: {  	s26 =	simm.s32 $execute0_lowered;
	[smem:$0x3FD2] =	sst s25  }
0xa6: {  	s4 =	sshll.u32 s26, $0x1;
	_ =	strace $0x8000004C;
	[dreg:$0x1] =	wrdreg $0xFFFFFFFF  }
0xa7: {  	s28 =	simm.s32 $_size_execute0_lowered;
	s2 =	sadd.s32 s2, s4;
	[dreg:$0x0] =	wrdreg $0x0  }
0xa8: {  	s4 =	sshll.u32 s28, $0x1;
	[dreg:$0x2] =	wrdreg s2  }
0xa9: {  	[dreg:$0x3] =	wrdreg s4  }
0xaa: {  	[dreg:$0x4] =	wrdreg $0xC0  }
0xab: {  	_ =	task [dreg:s6], $0x5FFFF  }
0xac: {  	[dreg:$0x1] =	wrdreg $0xFFFFFFFF  }
0xad: {  	[dreg:$0x0] =	wrdreg $0x60  }
0xae: {  	[dreg:$0x2] =	wrdreg s24  }
0xaf: {  	[dreg:$0x3] =	wrdreg $0xA8000  }
0xb0: {  	[dreg:$0x4] =	wrdreg $0x9  }
0xb1: {  	_ =	task.clear_ibuf [dreg:s6], $0x5FFFF;
	_ =	strace $0x9000004C  }
0xb2: {  	s29 =	simm.s32 $0x9;
	_ =	strace $0x8000004E  }
0xb3: {  	_ =	swait.ge [sflag:s29], $0x1  }
0xb4: {  	[sflag:s29] =	ssyncadd.s32 $0xFFFFFFFF  }
0xb5: {  	_ =	strace $0x9000004E  }
0xb6: {  	_ =	sfence  }
0xb7: {  	s30 =	sld [smem:$0x0];
	_ =	sdelay $0x2  }
0xb8: {  	s31 =	sshll.u32 s1, $0xD;
	s1 =	sshrl.u32 s1, $0x2  }
0xb9: {  	s3 =	sand.u32 $0x4000, s31;
	s1 =	sadd.s32 s1, s30  }
0xba: {  	s0 =	sor.u32 s3, s0;
	s1 =	sshll.u32 s1, $0x11  }
0xbb: {  	s0 =	sor.u32 s1, s0  }
0xbc: {  	s0 =	sadd.s32 $0x8F2B, s0  }
0xbd: {  	[sflag:s0] =	ssyncadd.remote.s32 $0x1  }
0xbe: {  	_ =	sfence.sel $0xFFFF  }
0xbf: {  	[dreg:$0x0] =	wrdreg $0xFFFFFFFF;
	(pc) =	sbr.abs _section_cstart, $3  }
0xc0: {  	[dreg:$0x1] =	wrdreg $0xFFFFFFFF  }
0xc1: {  	_ =	task.clear_ibuf [dreg:s6], $0x2FFFF;
	_ =	strace $0x9FFFFFFF  }
0xc2: {  	(tm) =	ssettm $0x7FFFFFFF  }
0xc3: {  	_ =	shalt  }
tec
execute0_lowered:
.L_overlay_start_1:
0x0: {  	(tag) =	ssettag $0x1  }
0x1: {  	s5 =	rddreg [dreg:$0x0]  }
0x2: {  	s2 =	rddreg [dreg:$0x1]  }
0x3: {  	s0 =	rddreg [dreg:$0x2]  }
0x4: {  	s1 =	stileid.u32;
	s4 =	srdreg.scid;
	s3 =	simm.s32 $0x0  }
0x5: {  	s16 =	simm.s32 $0x80;
	s17 =	simm.s32 $0x2800;
	s18 =	simm.s32 $0x6800  }
0x6: {  	s19 =	simm.s32 $0x1;
	s20 =	simm.s32 $0x2;
	s21 =	simm.s32 $0x1380  }
0x7: {  	s22 =	simm.s32 $0x2700;
	s23 =	simm.s32 $0x2780;
	s24 =	simm.s32 $0x0  }
0x8: {  	s6 =	smul.u32 $0x14000, s1;
	s7 =	sand.u32 $0x1, s4;
	[smem:$0x7FF] =	sst s3  }
0x9: {  	s11 =	sadd.s32 $0xDC00, s5;
	s12 =	sadd.s32 $0x3C00, s5;
	s26 =	smul.u32 $0x50000, s1  }
0xa: {  	s13 =	sshll.u32 s1, $0x1;
	s31 =	sshll.u32 s1, $0x6;
	s4 =	smul.u32 $0x140000, s7  }
0xb: {  	_ =	strace $0x8000004D;
	s25 =	ssub.s32 $0x2, s7;
	s7 =	sshll.u32 s7, $0x5  }
0xc: {  	s8 =	sshrl.u32 s6, $0x3;
	s10 =	sshrl.u32 s25, $0x1;
	s28 =	sshrl.u32 s26, $0x2  }
0xd: {  	s29 =	sor.u32 s7, s13;
	s6 =	sadd.s32 s6, s4;
	s4 =	sadd.s32 $0x40400, s5  }
0xe: {  	s8 =	sadd.s32 s8, s5;
	s10 =	ssub.s32 s25, s10;
	s30 =	sadd.s32 s28, s2  }
0xf: {  	s14 =	smul.u32 $0x280, s29;
	s6 =	sshrl.u32 s6, $0x3;
	s13 =	sshrl.u32 s30, $0x3  }
0x10: {  	s9 =	sadd.s32 s6, s5;
	s5 =	sadd.s32 $0x18400, s8;
	s6 =	sor.u32 $0x1C03, s31  }
0x11: {  	s8 =	smax.u32 s10, $0x1;
	s15 =	sadd.s32 $0x280, s14;
	s10 =	sadd.s32 s12, s14  }
0x12: {  	s7 =	sadd.s32 $0x68400, s9;
	s9 =	sadd.s32 s11, s14;
	s11 =	sadd.s32 s11, s15  }
0x13: {  	s12 =	sadd.s32 s12, s15;
	s14 =	simm.s32 $0x3;
	s15 =	simm.s32 $0x1400  }
.LBB2_1:
0x14: {  	[spmem:s13], [sflag:s6] =	dma.local [hbm:s5], $0x2800  }
0x15: {  	_ =	swait.ge [sflag:s14], $0x2800  }
0x16: {  	[sflag:s14] =	ssyncset.done $0x0  }
0x17: {  	[sflag:s14] =	ssyncadd.s32 $0xFFFFD800  }
0x18: {  	[bflag:$0x0] =	sbarrier.arrive $0xFFFF  }
0x19: {  	[tilespmem:s3], [sflag:$0x3] =	stream.linear.gather [hbm4b:s9+s3], $0x1400, $0x38;
	[tilespmem:$0x1E800] =	vst v63  }
0x1a: {  	_ =	swait.ge [sflag:s14], $0x1400  }
0x1b: {  	[sflag:s14] =	ssyncset.done $0x0  }
0x1c: {  	[sflag:s14] =	ssyncadd.s32 $0xFFFFEC00  }
0x1d: {  	[tilespmem:s15], [sflag:$0x3] =	stream.linear.gather [hbm4b:s10+s3], $0x1400, $0x38;
	[tilespmem:$0x1E800] =	vst v63  }
0x1e: {  	_ =	swait.ge [sflag:s14], $0x1400  }
0x1f: {  	[sflag:s14] =	ssyncset.done $0x0  }
0x20: {  	[sflag:s14] =	ssyncadd.s32 $0xFFFFEC00  }
0x21: {  	[tilespmem:s17], [sflag:$0x1] =	stream.indirect.gather [hbm4b:s4+s16], $0x80, s3, s16, $0xb8;
	[tilespmem:$0x1E800] =	vst v63  }
0x22: {  	s25 =	simm.s32 $0x80  }
0x23: {  	[tilespmem:s18], [sflag:$0x2] =	stream.indirect.gather [hbm4b:s4+s16], $0x80, s25, s16, $0xb8;
	[tilespmem:$0x1E800] =	vst v63  }
0x24: {  	_ =	swait.ge [sflag:s19], $0x4000  }
0x25: {  	[sflag:s19] =	ssyncset.done $0x0  }
0x26: {  	s29 =	simm.s32 $0x1400;
	[sflag:s19] =	ssyncadd.s32 $0xFFFFC000  }
0x27: {  	[spmem:s2] =	stream.indirect.scatter.add.f32 [tilespmem:s17], [sflag:$0x3], $0x80, s29, s16, $0xb8;
	[tilespmem:$0x1E800] =	vst v63  }
0x28: {  	_ =	swait.ge [sflag:s14], $0x4000  }
0x29: {  	[sflag:s14] =	ssyncset.done $0x0  }
0x2a: {  	s30 =	simm.s32 $0x100;
	[sflag:s14] =	ssyncadd.s32 $0xFFFFC000  }
0x2b: {  	[tilespmem:s17], [sflag:$0x1] =	stream.indirect.gather [hbm4b:s4+s16], $0x80, s30, s16, $0xb8;
	[tilespmem:$0x1E800] =	vst v63  }
0x2c: {  	_ =	swait.ge [sflag:s20], $0x4000  }
0x2d: {  	[sflag:s20] =	ssyncset.done $0x0  }
0x2e: {  	s31 =	simm.s32 $0x1480;
	[sflag:s20] =	ssyncadd.s32 $0xFFFFC000  }
0x2f: {  	[spmem:s2] =	stream.indirect.scatter.add.f32 [tilespmem:s18], [sflag:$0x3], $0x80, s31, s16, $0xb8;
	[tilespmem:$0x1E800] =	vst v63  }
0x30: {  	_ =	swait.ge [sflag:s14], $0x4000  }
0x31: {  	s26 =	simm.s32 $0x800;
	s25 =	simm.s32 $0x100;
	[sflag:s14] =	ssyncset.done $0x0  }
.LBB2_2:
0x32: {  	s28 =	sadd.s32 $0x80, s25  }
0x33: {  	[sflag:s14] =	ssyncadd.s32 $0xFFFFC000;
	s29 =	smov.u32 s26;
	s30 =	sadd.s32 $0x400, s26  }
0x34: {  	[tilespmem:s18], [sflag:$0x2] =	stream.indirect.gather [hbm4b:s4+s16], $0x80, s28, s16, $0xb8;
	[tilespmem:$0x1E800] =	vst v63  }
0x35: {  	p0 =	sne.s32 s26, $0x4800;
	_ =	swait.ge [sflag:s19], $0x4000  }
0x36: {  	[sflag:s19] =	ssyncset.done $0x0  }
0x37: {  	s26 =	sadd.s32 $0x1400, s25;
	[sflag:s19] =	ssyncadd.s32 $0xFFFFC000  }
0x38: {  	[spmem:s2] =	stream.indirect.scatter.add.f32 [tilespmem:s17], [sflag:$0x3], $0x80, s26, s16, $0xb8;
	[tilespmem:$0x1E800] =	vst v63  }
0x39: {  	_ =	swait.ge [sflag:s14], $0x4000  }
0x3a: {  	[sflag:s14] =	ssyncset.done $0x0  }
0x3b: {  	s26 =	sadd.s32 $0x100, s25;
	[sflag:s14] =	ssyncadd.s32 $0xFFFFC000  }
0x3c: {  	[tilespmem:s17], [sflag:$0x1] =	stream.indirect.gather [hbm4b:s4+s16], $0x80, s26, s16, $0xb8;
	[tilespmem:$0x1E800] =	vst v63  }
0x3d: {  	_ =	swait.ge [sflag:s20], $0x4000  }
.Ltmp0:
0x3e: {  	[sflag:s20] =	ssyncset.done $0x0;
	(pc) =	sbr.rel @p0 .LBB2_2-.Ltmp0, $4  }
0x3f: {  	s25 =	sadd.s32 $0x1480, s25;
	[sflag:s20] =	ssyncadd.s32 $0xFFFFC000  }
0x40: {  	[spmem:s2] =	stream.indirect.scatter.add.f32 [tilespmem:s18], [sflag:$0x3], $0x80, s25, s16, $0xb8;
	[tilespmem:$0x1E800] =	vst v63  }
0x41: {  	_ =	swait.ge [sflag:s14], $0x4000  }
0x42: {  	s26 =	smov.u32 s30;
	s25 =	sshra.s32 s29, $0x2;
	[sflag:s14] =	ssyncset.done $0x0  }
0x43: {  	s26 =	sadd.s32 $0x80, s25;
	[sflag:s14] =	ssyncadd.s32 $0xFFFFC000  }
0x44: {  	[tilespmem:s18], [sflag:$0x2] =	stream.indirect.gather [hbm4b:s4+s16], $0x80, s26, s16, $0xb8;
	[tilespmem:$0x1E800] =	vst v63  }
0x45: {  	_ =	swait.ge [sflag:s19], $0x4000  }
0x46: {  	[sflag:s19] =	ssyncset.done $0x0  }
0x47: {  	s29 =	sadd.s32 $0x1400, s25;
	[sflag:s19] =	ssyncadd.s32 $0xFFFFC000  }
0x48: {  	[spmem:s2] =	stream.indirect.scatter.add.f32 [tilespmem:s17], [sflag:$0x3], $0x80, s29, s16, $0xb8;
	[tilespmem:$0x1E800] =	vst v63  }
0x49: {  	_ =	swait.ge [sflag:s14], $0x4000  }
0x4a: {  	[sflag:s14] =	ssyncset.done $0x0  }
0x4b: {  	s30 =	sadd.s32 $0x100, s25;
	[sflag:s14] =	ssyncadd.s32 $0xFFFFC000  }
0x4c: {  	[tilespmem:s17], [sflag:$0x1] =	stream.indirect.gather [hbm4b:s4+s16], $0x80, s30, s16, $0xb8;
	[tilespmem:$0x1E800] =	vst v63  }
0x4d: {  	_ =	swait.ge [sflag:s20], $0x4000  }
0x4e: {  	[sflag:s20] =	ssyncset.done $0x0  }
0x4f: {  	s31 =	sadd.s32 $0x1480, s25;
	[sflag:s20] =	ssyncadd.s32 $0xFFFFC000  }
0x50: {  	[spmem:s2] =	stream.indirect.scatter.add.f32 [tilespmem:s18], [sflag:$0x3], $0x80, s31, s16, $0xb8;
	[tilespmem:$0x1E800] =	vst v63  }
0x51: {  	_ =	swait.ge [sflag:s14], $0x4000  }
0x52: {  	[sflag:s14] =	ssyncset.done $0x0  }
0x53: {  	[sflag:s14] =	ssyncadd.s32 $0xFFFFC000  }
0x54: {  	[tilespmem:s18], [sflag:$0x2] =	stream.indirect.gather [hbm4b:s4+s16], $0x80, s21, s16, $0xb8;
	[tilespmem:$0x1E800] =	vst v63  }
0x55: {  	_ =	swait.ge [sflag:s19], $0x4000  }
0x56: {  	[sflag:s19] =	ssyncset.done $0x0  }
0x57: {  	[sflag:s19] =	ssyncadd.s32 $0xFFFFC000  }
0x58: {  	[spmem:s2] =	stream.indirect.scatter.add.f32 [tilespmem:s17], [sflag:$0x3], $0x80, s22, s16, $0xb8;
	[tilespmem:$0x1E800] =	vst v63  }
0x59: {  	_ =	swait.ge [sflag:s14], $0x4000  }
0x5a: {  	[sflag:s14] =	ssyncset.done $0x0  }
0x5b: {  	[sflag:s14] =	ssyncadd.s32 $0xFFFFC000  }
0x5c: {  	_ =	swait.ge [sflag:s20], $0x4000  }
0x5d: {  	[sflag:s20] =	ssyncset.done $0x0  }
0x5e: {  	[sflag:s20] =	ssyncadd.s32 $0xFFFFC000  }
0x5f: {  	[spmem:s2] =	stream.indirect.scatter.add.f32 [tilespmem:s18], [sflag:$0x3], $0x80, s23, s16, $0xb8;
	[tilespmem:$0x1E800] =	vst v63  }
0x60: {  	_ =	swait.ge [sflag:s14], $0x4000  }
0x61: {  	[sflag:s14] =	ssyncset.done $0x0  }
0x62: {  	s26 =	simm.s32 $0x0;
	[sflag:s14] =	ssyncadd.s32 $0xFFFFC000  }
0x63: {  	[tilespmem:s26], [sflag:$0x3] =	stream.linear.gather [hbm4b:s11+s26], $0x1400, $0x38;
	[tilespmem:$0x1E800] =	vst v63  }
0x64: {  	_ =	swait.ge [sflag:s14], $0x1400  }
0x65: {  	[sflag:s14] =	ssyncset.done $0x0  }
0x66: {  	[sflag:s14] =	ssyncadd.s32 $0xFFFFEC00  }
0x67: {  	[tilespmem:s15], [sflag:$0x3] =	stream.linear.gather [hbm4b:s12+s26], $0x1400, $0x38;
	[tilespmem:$0x1E800] =	vst v63  }
0x68: {  	_ =	swait.ge [sflag:s14], $0x1400  }
0x69: {  	[sflag:s14] =	ssyncset.done $0x0  }
0x6a: {  	[sflag:s14] =	ssyncadd.s32 $0xFFFFEC00  }
0x6b: {  	[tilespmem:s17], [sflag:$0x1] =	stream.indirect.gather [hbm4b:s4+s16], $0x80, s26, s16, $0xb8;
	[tilespmem:$0x1E800] =	vst v63  }
0x6c: {  	s28 =	simm.s32 $0x80  }
0x6d: {  	[tilespmem:s18], [sflag:$0x2] =	stream.indirect.gather [hbm4b:s4+s16], $0x80, s28, s16, $0xb8;
	[tilespmem:$0x1E800] =	vst v63  }
0x6e: {  	_ =	swait.ge [sflag:s19], $0x4000  }
0x6f: {  	[sflag:s19] =	ssyncset.done $0x0  }
0x70: {  	s29 =	simm.s32 $0x1400;
	[sflag:s19] =	ssyncadd.s32 $0xFFFFC000  }
0x71: {  	[spmem:s2] =	stream.indirect.scatter.add.f32 [tilespmem:s17], [sflag:$0x3], $0x80, s29, s16, $0xb8;
	[tilespmem:$0x1E800] =	vst v63  }
0x72: {  	_ =	swait.ge [sflag:s14], $0x4000  }
0x73: {  	[sflag:s14] =	ssyncset.done $0x0  }
0x74: {  	s30 =	simm.s32 $0x100;
	[sflag:s14] =	ssyncadd.s32 $0xFFFFC000  }
0x75: {  	[tilespmem:s17], [sflag:$0x1] =	stream.indirect.gather [hbm4b:s4+s16], $0x80, s30, s16, $0xb8;
	[tilespmem:$0x1E800] =	vst v63  }
0x76: {  	_ =	swait.ge [sflag:s20], $0x4000  }
0x77: {  	[sflag:s20] =	ssyncset.done $0x0  }
0x78: {  	s31 =	simm.s32 $0x1480;
	[sflag:s20] =	ssyncadd.s32 $0xFFFFC000  }
0x79: {  	[spmem:s2] =	stream.indirect.scatter.add.f32 [tilespmem:s18], [sflag:$0x3], $0x80, s31, s16, $0xb8;
	[tilespmem:$0x1E800] =	vst v63  }
0x7a: {  	_ =	swait.ge [sflag:s14], $0x4000  }
0x7b: {  	s25 =	simm.s32 $0x100;
	s26 =	simm.s32 $0x800;
	[sflag:s14] =	ssyncset.done $0x0  }
.LBB2_4:
0x7c: {  	s28 =	sadd.s32 $0x80, s25  }
0x7d: {  	[sflag:s14] =	ssyncadd.s32 $0xFFFFC000;
	s29 =	smov.u32 s26;
	s30 =	sadd.s32 $0x400, s26  }
0x7e: {  	[tilespmem:s18], [sflag:$0x2] =	stream.indirect.gather [hbm4b:s4+s16], $0x80, s28, s16, $0xb8;
	[tilespmem:$0x1E800] =	vst v63  }
0x7f: {  	p0 =	sne.s32 s26, $0x4800;
	_ =	swait.ge [sflag:s19], $0x4000  }
0x80: {  	[sflag:s19] =	ssyncset.done $0x0  }
0x81: {  	s26 =	sadd.s32 $0x1400, s25;
	[sflag:s19] =	ssyncadd.s32 $0xFFFFC000  }
0x82: {  	[spmem:s2] =	stream.indirect.scatter.add.f32 [tilespmem:s17], [sflag:$0x3], $0x80, s26, s16, $0xb8;
	[tilespmem:$0x1E800] =	vst v63  }
0x83: {  	_ =	swait.ge [sflag:s14], $0x4000  }
0x84: {  	[sflag:s14] =	ssyncset.done $0x0  }
0x85: {  	s26 =	sadd.s32 $0x100, s25;
	[sflag:s14] =	ssyncadd.s32 $0xFFFFC000  }
0x86: {  	[tilespmem:s17], [sflag:$0x1] =	stream.indirect.gather [hbm4b:s4+s16], $0x80, s26, s16, $0xb8;
	[tilespmem:$0x1E800] =	vst v63  }
0x87: {  	_ =	swait.ge [sflag:s20], $0x4000  }
.Ltmp1:
0x88: {  	[sflag:s20] =	ssyncset.done $0x0;
	(pc) =	sbr.rel @p0 .LBB2_4-.Ltmp1, $4  }
0x89: {  	s25 =	sadd.s32 $0x1480, s25;
	[sflag:s20] =	ssyncadd.s32 $0xFFFFC000  }
0x8a: {  	[spmem:s2] =	stream.indirect.scatter.add.f32 [tilespmem:s18], [sflag:$0x3], $0x80, s25, s16, $0xb8;
	[tilespmem:$0x1E800] =	vst v63  }
0x8b: {  	_ =	swait.ge [sflag:s14], $0x4000  }
0x8c: {  	s26 =	smov.u32 s30;
	s25 =	sshra.s32 s29, $0x2;
	[sflag:s14] =	ssyncset.done $0x0  }
0x8d: {  	s26 =	sadd.s32 $0x80, s25;
	[sflag:s14] =	ssyncadd.s32 $0xFFFFC000  }
0x8e: {  	[tilespmem:s18], [sflag:$0x2] =	stream.indirect.gather [hbm4b:s4+s16], $0x80, s26, s16, $0xb8;
	[tilespmem:$0x1E800] =	vst v63  }
0x8f: {  	_ =	swait.ge [sflag:s19], $0x4000  }
0x90: {  	[sflag:s19] =	ssyncset.done $0x0  }
0x91: {  	s29 =	sadd.s32 $0x1400, s25;
	[sflag:s19] =	ssyncadd.s32 $0xFFFFC000  }
0x92: {  	[spmem:s2] =	stream.indirect.scatter.add.f32 [tilespmem:s17], [sflag:$0x3], $0x80, s29, s16, $0xb8;
	[tilespmem:$0x1E800] =	vst v63  }
0x93: {  	_ =	swait.ge [sflag:s14], $0x4000  }
0x94: {  	[sflag:s14] =	ssyncset.done $0x0  }
0x95: {  	s30 =	sadd.s32 $0x100, s25;
	[sflag:s14] =	ssyncadd.s32 $0xFFFFC000  }
0x96: {  	[tilespmem:s17], [sflag:$0x1] =	stream.indirect.gather [hbm4b:s4+s16], $0x80, s30, s16, $0xb8;
	[tilespmem:$0x1E800] =	vst v63  }
0x97: {  	_ =	swait.ge [sflag:s20], $0x4000  }
0x98: {  	[sflag:s20] =	ssyncset.done $0x0  }
0x99: {  	s31 =	sadd.s32 $0x1480, s25;
	[sflag:s20] =	ssyncadd.s32 $0xFFFFC000  }
0x9a: {  	[spmem:s2] =	stream.indirect.scatter.add.f32 [tilespmem:s18], [sflag:$0x3], $0x80, s31, s16, $0xb8;
	[tilespmem:$0x1E800] =	vst v63  }
0x9b: {  	_ =	swait.ge [sflag:s14], $0x4000  }
0x9c: {  	[sflag:s14] =	ssyncset.done $0x0  }
0x9d: {  	[sflag:s14] =	ssyncadd.s32 $0xFFFFC000  }
0x9e: {  	[tilespmem:s18], [sflag:$0x2] =	stream.indirect.gather [hbm4b:s4+s16], $0x80, s21, s16, $0xb8;
	[tilespmem:$0x1E800] =	vst v63  }
0x9f: {  	_ =	swait.ge [sflag:s19], $0x4000  }
0xa0: {  	[sflag:s19] =	ssyncset.done $0x0  }
0xa1: {  	[sflag:s19] =	ssyncadd.s32 $0xFFFFC000  }
0xa2: {  	[spmem:s2] =	stream.indirect.scatter.add.f32 [tilespmem:s17], [sflag:$0x3], $0x80, s22, s16, $0xb8;
	[tilespmem:$0x1E800] =	vst v63  }
0xa3: {  	_ =	swait.ge [sflag:s14], $0x4000  }
0xa4: {  	[sflag:s14] =	ssyncset.done $0x0  }
0xa5: {  	[sflag:s14] =	ssyncadd.s32 $0xFFFFC000  }
0xa6: {  	_ =	swait.ge [sflag:s20], $0x4000  }
0xa7: {  	[sflag:s20] =	ssyncset.done $0x0  }
0xa8: {  	[sflag:s20] =	ssyncadd.s32 $0xFFFFC000  }
0xa9: {  	[spmem:s2] =	stream.indirect.scatter.add.f32 [tilespmem:s18], [sflag:$0x3], $0x80, s23, s16, $0xb8;
	[tilespmem:$0x1E800] =	vst v63  }
0xaa: {  	_ =	swait.ge [sflag:s14], $0x4000  }
0xab: {  	s24 =	sadd.s32 $0x1, s24;
	[sflag:s14] =	ssyncset.done $0x0  }
0xac: {  	p0 =	sne.s32 s24, s8;
	[sflag:s14] =	ssyncadd.s32 $0xFFFFC000  }
.Ltmp2:
0xad: {  	[bflag:$0x0] =	sbarrier.arrive $0xFFFF;
	(pc) =	sbr.rel @p0 .LBB2_1-.Ltmp2, $4  }
0xae: {  	[hbm:s7], [sflag:s6] =	dma.local [spmem:s13], $0x2800  }
0xaf: {  	_ =	swait.ge [sflag:s14], $0x2800  }
0xb0: {  	[sflag:s14] =	ssyncset.done $0x0  }
0xb1: {  	[sflag:s14] =	ssyncadd.s32 $0xFFFFD800  }
0xb2: {  	_ =	sfence.sel $0x180000  }
0xb3: {  	[bflag:$0x0] =	sbarrier.arrive $0xFFFF  }
0xb4: {  	p0 =	sne.s32 s1, $0x0;
	_ =	strace $0x9000004D  }
0xb5: {  	s0 =	sadd.s32 @!p0 $0x100000, s0;
	[bflag:$0x2] =	sbarrier.arrive $0xFFFF  }
0xb6: {  	[sflag:s0] =	ssyncadd.tile.s32 @!p0 $0x1;
	_ =	shalt  }
.Lfunc_end2:
_tile_overlayer_lowered:
.L_overlay_start_2:
0xb7: {  	(tag) =	ssettag $0x2  }
0xb8: {  	s0 =	rddreg [dreg:$0x0];
	s2 =	stileid.u32  }
0xb9: {  	s1 =	rddreg [dreg:$0x1];
	p0 =	sne.s32 s2, $0x0  }
0xba: {  	s3 =	rddreg [dreg:$0x2];
	[bflag:$0x3] =	sbarrier.arrive $0xFFFF;
	s2 =	simm.s32 @!p0 $0x1C03  }
0xbb: {  	[timem:s3], [sflag:s2] =	dma.local @!p0 [hbm:s0], s1  }
0xbc: {  	s0 =	simm.s32 @!p0 $0x3  }
0xbd: {  	_ =	swait.ge @!p0 [sflag:s0], s1  }
0xbe: {  	s1 =	ssub.s32 @!p0 $0x0, s1;
	[sflag:s0] =	ssyncset.done @!p0 $0x0  }
0xbf: {  	[sflag:s0] =	ssyncadd.s32 @!p0 s1  }
0xc0: {  	[bflag:$0x3] =	sbarrier.arrive $0xFFFF  }
0xc1: {  	_ =	shalt  }

// kernel: kernel.8.cloned.1.call-start
scs
__scs_entry_jumppad:
0x0: {  	(pc) =	sbr.rel $0x88, $3  }
0x1: {  	(tag) =	ssettag $0x0;
	lr =	simm.s32 $0x1  }
0x2: {  	[smem:$0x3F90] =	sst lr;
	_ =	strace $0xD0000000  }
0x3: {  	_ = 	snop  }
0x4: {  	_ = 	snop  }
0x5: {  	_ = 	snop  }
0x6: {  	_ = 	snop  }
0x7: {  	_ = 	snop  }
__scs_overlays_trampoline_lowered:
0x8: {  	[smem:$0x3F9F] =	sst s0  }
0x9: {  	[smem:$0x3FA0] =	sst s1  }
0xa: {  	[smem:$0x3FA1] =	sst s2  }
0xb: {  	[smem:$0x3FA2] =	sst s3  }
0xc: {  	[smem:$0x3FA3] =	sst s4  }
0xd: {  	[smem:$0x3FA4] =	sst s5  }
0xe: {  	[smem:$0x3FA5] =	sst s6  }
0xf: {  	[smem:$0x3FA6] =	sst s7  }
0x10: {  	[smem:$0x3FA7] =	sst s8  }
0x11: {  	[smem:$0x3FA8] =	sst s9;
	s0 =	simm.s32 @!p0 $0x0  }
0x12: {  	s1 =	sld [smem:$0x3F8E];
	s0 =	simm.s32 @p0 $0x1  }
0x13: {  	[smem:$0x3FA9] =	sst s0;
	s0 =	simm.s32 @!p1 $0x0  }
0x14: {  	s2 =	sld [smem:$0x3F8D];
	s0 =	simm.s32 @p1 $0x1  }
0x15: {  	[smem:$0x3FAA] =	sst s0;
	s0 =	simm.s32 @!p2 $0x0  }
0x16: {  	s3 =	sld [smem:$0x3FDB];
	s0 =	simm.s32 @p2 $0x1  }
0x17: {  	s4 =	simm.s32 $0x1BF5;
	[smem:$0x3FAC] =	sst s0  }
0x18: {  	s0 =	sld [smem:$0x3F8F];
	_ =	swait.ge [sflag:s4], $0x0  }
0x19: {  	s7 =	sld [smem:$0x3F90]  }
0x1a: {  	s8 =	sadd.s32 $0xFFFFE003, lr  }
0x1b: {  	s9 =	sadd.s32 $0xFFFFFEF7, lr;
	s5 =	simm.s32 $0xFFFFFFFF;
	p2 =	slt.u32 s8, $0xFFFFF086  }
0x1c: {  	p1 =	slt.u32 s9, $0xF7A;
	s5 =	simm.s32 @!p2 $0x0  }
0x1d: {  	s5 =	simm.s32 @p1 $0x1;
	p0 =	seq.s32 s7, s2  }
0x1e: {  	s7 =	smul.u32 @!p0 $0xF7A, s2;
	p2 =	seq.s32 @!p0 s5, $0x0  }
0x1f: {  	s9 =	smul.u32 $0xF7A, s1;
	s8 =	simm.s32 @!p0 $0x1BF5;
	p2 =	por !p2, p0  }
0x20: {  	[sflag:s8] =	ssyncset.s32 @!p0 $0xFFFFF086;
	s6 =	sadd.s32 @!p0 s3, s7;
	s7 =	simm.s32 @!p0 $0x108  }
0x21: {  	s3 =	sadd.s32 s3, s9;
	s6 =	sadd.s32 @!p0 $0x88, s6;
	s7 =	simm.s32 @p2 $0x1082  }
0x22: {  	[simem:s7], [sflag:s8] =	dma.local @!p0 [hbm:s6], $0xF7A  }
0x23: {  	s9 =	sor.u32 $0xD0000000, s2;
	s6 =	simm.s32 $0x108;
	_ =	swait.ge @!p0 [sflag:s8], $0x0  }
0x24: {  	s3 =	sadd.s32 $0x88, s3;
	s6 =	simm.s32 @!p1 $0x1082;
	[sflag:s4] =	ssyncset.s32 $0xFFFFF086  }
0x25: {  	[simem:s6], [sflag:s4] =	dma.local [hbm:s3], $0xF7A  }
0x26: {  	[smem:$0x3F90] =	sst s1;
	(tag) =	ssettag s2;
	_ =	strace s9  }
0x27: {  	s1 =	sld [smem:$0x3FA0]  }
0x28: {  	s2 =	sld [smem:$0x3FA1]  }
0x29: {  	s4 =	sld [smem:$0x3FA3]  }
0x2a: {  	p0 =	seq.s32 s5, $0x0;
	s5 =	sld [smem:$0x3FA4]  }
0x2b: {  	s6 =	sld [smem:$0x3FA5]  }
0x2c: {  	s7 =	sld [smem:$0x3FA6]  }
0x2d: {  	s3 =	simm.s32 $0x108;
	s8 =	sld [smem:$0x3FA7]  }
0x2e: {  	s3 =	simm.s32 @!p0 $0x1082;
	s9 =	sld [smem:$0x3FA8]  }
0x2f: {  	lr =	sadd.s32 s0, s3;
	s0 =	sld [smem:$0x3F9F]  }
0x30: {  	s3 =	sld [smem:$0x3FA2]  }
0x31: {  	[smem:$0x3FAB] =	sst s10  }
0x32: {  	s10 =	sld [smem:$0x3FA9];
	_ =	sdelay $0x3  }
0x33: {  	p0 =	seq.s32 s10, $0x1;
	s10 =	sld [smem:$0x3FAB];
	_ =	sdelay $0x3  }
0x34: {  	[smem:$0x3FAB] =	sst s10  }
0x35: {  	s10 =	sld [smem:$0x3FAA];
	_ =	sdelay $0x3  }
0x36: {  	p1 =	seq.s32 s10, $0x1;
	s10 =	sld [smem:$0x3FAB];
	_ =	sdelay $0x3  }
0x37: {  	[smem:$0x3FAB] =	sst s10  }
0x38: {  	s10 =	sld [smem:$0x3FAC]  }
0x39: {  	_ = 	snop;
	(pc) =	sbr.ind lr, $3  }
0x3a: {  	_ = 	snop  }
0x3b: {  	_ = 	snop  }
0x3c: {  	p2 =	seq.s32 s10, $0x1;
	s10 =	sld [smem:$0x3FAB]  }
0x3d: {  	_ =	shalt  }
0x3e: {  	_ =	shalt  }
0x3f: {  	_ =	shalt  }
0x40: {  	_ =	shalt  }
0x41: {  	_ =	shalt  }
0x42: {  	_ =	shalt  }
0x43: {  	_ =	shalt  }
0x44: {  	_ =	shalt  }
0x45: {  	_ =	shalt  }
0x46: {  	_ =	shalt  }
0x47: {  	_ =	shalt  }
0x48: {  	_ =	shalt  }
0x49: {  	_ =	shalt  }
0x4a: {  	_ =	shalt  }
0x4b: {  	_ =	shalt  }
0x4c: {  	_ =	shalt  }
0x4d: {  	_ =	shalt  }
0x4e: {  	_ =	shalt  }
0x4f: {  	_ =	shalt  }
0x50: {  	_ =	shalt  }
0x51: {  	_ =	shalt  }
0x52: {  	_ =	shalt  }
0x53: {  	_ =	shalt  }
0x54: {  	_ =	shalt  }
0x55: {  	_ =	shalt  }
0x56: {  	_ =	shalt  }
0x57: {  	_ =	shalt  }
0x58: {  	_ =	shalt  }
0x59: {  	_ =	shalt  }
0x5a: {  	_ =	shalt  }
0x5b: {  	_ =	shalt  }
0x5c: {  	_ =	shalt  }
0x5d: {  	_ =	shalt  }
0x5e: {  	_ =	shalt  }
0x5f: {  	_ =	shalt  }
0x60: {  	_ =	shalt  }
0x61: {  	_ =	shalt  }
0x62: {  	_ =	shalt  }
0x63: {  	_ =	shalt  }
0x64: {  	_ =	shalt  }
0x65: {  	_ =	shalt  }
0x66: {  	_ =	shalt  }
0x67: {  	_ =	shalt  }
0x68: {  	_ =	shalt  }
0x69: {  	_ =	shalt  }
0x6a: {  	_ =	shalt  }
0x6b: {  	_ =	shalt  }
0x6c: {  	_ =	shalt  }
0x6d: {  	_ =	shalt  }
0x6e: {  	_ =	shalt  }
0x6f: {  	_ =	shalt  }
0x70: {  	_ =	shalt  }
0x71: {  	_ =	shalt  }
0x72: {  	_ =	shalt  }
0x73: {  	_ =	shalt  }
0x74: {  	_ =	shalt  }
0x75: {  	_ =	shalt  }
0x76: {  	_ =	shalt  }
0x77: {  	_ =	shalt  }
0x78: {  	_ =	shalt  }
0x79: {  	_ =	shalt  }
0x7a: {  	_ =	shalt  }
0x7b: {  	_ =	shalt  }
0x7c: {  	_ =	shalt  }
0x7d: {  	_ =	shalt  }
0x7e: {  	_ =	shalt  }
0x7f: {  	_ =	shalt  }
0x80: {  	_ =	shalt  }
0x81: {  	_ =	shalt  }
0x82: {  	_ =	shalt  }
0x83: {  	_ =	shalt  }
0x84: {  	_ =	shalt  }
0x85: {  	_ =	shalt  }
0x86: {  	_ =	shalt  }
0x87: {  	_ =	shalt  }
.Lfunc_end0:
.L_simem_size_0:
called_computation_lowered:
.L_overlay_start_0:
0x88: {  	s2 =	sld [smem:$0x3FD9]  }
0x89: {  	s3 =	sld [smem:$0x3FFE];
	_ =	sdelay $0x1  }
0x8a: {  	s1 =	srdreg.scid  }
0x8b: {  	s0 =	sand.u32 $0x1, s1  }
0x8c: {  	s16 =	sshll.u32 s0, $0xA;
	s2 =	sadd.s32 s3, s2  }
0x8d: {  	s2 =	sadd.s32 s2, s16  }
0x8e: {  	[smem:$0x3FB7] =	sst s2  }
0x8f: {  	_ = 	snop  }
0x90: {  	(tm) =	ssettm $0x1  }
0x91: {  	s17 =	sld [smem:$0x3FFB];
	_ =	sdelay $0x3  }
0x92: {  	_ =	strace s17  }
0x93: {  	s2 =	sld [smem:$0x3FFC];
	_ =	sdelay $0x3  }
0x94: {  	_ =	strace s2  }
0x95: {  	s2 =	sld [smem:$0x3FFD];
	_ =	sdelay $0x3  }
0x96: {  	_ =	strace s2  }
0x97: {  	_ =	strace $0x8FFFFFFF  }
0x98: {  	s18 =	sld [smem:$0x3FDB];
	_ =	sdelay $0x1  }
0x99: {  	s19 =	simm.s32 $_scs_section_size  }
0x9a: {  	s4 =	simm.s32 $_size__tile_overlayer_lowered;
	s5 =	simm.s32 $_tile_overlayer_lowered  }
0x9b: {  	s22 =	simm.s32 $0x1BFF;
	s21 =	sshll.u32 s5, $0x1;
	s2 =	sadd.s32 s19, s18  }
0x9c: {  	s6 =	simm.s32 $0x0;
	s20 =	sshll.u32 s4, $0x1;
	s4 =	sadd.s32 s21, s2  }
0x9d: {  	[timem:s6], [sflag:s22] =	dma.local [hbm:s4], s20  }
0x9e: {  	_ =	swait.ge [sflag:s22], s20  }
0x9f: {  	s3 =	ssub.s32 $0x0, s20;
	[sflag:s22] =	ssyncset.done $0x0  }
0xa0: {  	[sflag:s22] =	ssyncadd.s32 s3;
	_ =	sdelay $0x1  }
0xa1: {  	s23 =	simm.s32 $0x1B8B  }
0xa2: {  	_ =	swait.ge [sflag:s23], $0x1  }
0xa3: {  	[sflag:s23] =	ssyncset.done $0x0  }
0xa4: {  	s25 =	simm.s32 $0x1B8E;
	s24 =	sld [smem:$0x3FFE];
	[sflag:s23] =	ssyncadd.s32 $0xFFFFFFFF  }
0xa5: {  	s26 =	simm.s32 $execute0_lowered;
	[smem:$0x3FD2] =	sst s25  }
0xa6: {  	s4 =	sshll.u32 s26, $0x1;
	_ =	strace $0x80000046;
	[dreg:$0x1] =	wrdreg $0xFFFFFFFF  }
0xa7: {  	s28 =	simm.s32 $_size_execute0_lowered;
	s2 =	sadd.s32 s2, s4;
	[dreg:$0x0] =	wrdreg $0x0  }
0xa8: {  	s4 =	sshll.u32 s28, $0x1;
	[dreg:$0x2] =	wrdreg s2  }
0xa9: {  	[dreg:$0x3] =	wrdreg s4  }
0xaa: {  	[dreg:$0x4] =	wrdreg $0xC0  }
0xab: {  	_ =	task [dreg:s6], $0x5FFFF  }
0xac: {  	[dreg:$0x1] =	wrdreg $0xFFFFFFFF  }
0xad: {  	[dreg:$0x0] =	wrdreg $0x60  }
0xae: {  	[dreg:$0x2] =	wrdreg s24  }
0xaf: {  	[dreg:$0x3] =	wrdreg $0x68000  }
0xb0: {  	[dreg:$0x4] =	wrdreg $0x9  }
0xb1: {  	_ =	task.clear_ibuf [dreg:s6], $0x5FFFF;
	_ =	strace $0x90000046  }
0xb2: {  	s29 =	simm.s32 $0x9;
	_ =	strace $0x80000048  }
0xb3: {  	_ =	swait.ge [sflag:s29], $0x1  }
0xb4: {  	[sflag:s29] =	ssyncadd.s32 $0xFFFFFFFF  }
0xb5: {  	_ =	strace $0x90000048  }
0xb6: {  	_ =	sfence  }
0xb7: {  	s30 =	sld [smem:$0x0];
	_ =	sdelay $0x2  }
0xb8: {  	s31 =	sshll.u32 s1, $0xD;
	s1 =	sshrl.u32 s1, $0x2  }
0xb9: {  	s3 =	sand.u32 $0x4000, s31;
	s1 =	sadd.s32 s1, s30  }
0xba: {  	s0 =	sor.u32 s3, s0;
	s1 =	sshll.u32 s1, $0x11  }
0xbb: {  	s0 =	sor.u32 s1, s0  }
0xbc: {  	s0 =	sadd.s32 $0x8F2B, s0  }
0xbd: {  	[sflag:s0] =	ssyncadd.remote.s32 $0x1  }
0xbe: {  	_ =	sfence.sel $0xFFFF  }
0xbf: {  	[dreg:$0x0] =	wrdreg $0xFFFFFFFF;
	(pc) =	sbr.abs _section_cstart, $3  }
0xc0: {  	[dreg:$0x1] =	wrdreg $0xFFFFFFFF  }
0xc1: {  	_ =	task.clear_ibuf [dreg:s6], $0x2FFFF;
	_ =	strace $0x9FFFFFFF  }
0xc2: {  	(tm) =	ssettm $0x7FFFFFFF  }
0xc3: {  	_ =	shalt  }
tec
execute0_lowered:
.L_overlay_start_1:
0x0: {  	(tag) =	ssettag $0x1  }
0x1: {  	s0 =	srdreg.scid;
	s6 =	rddreg [dreg:$0x0]  }
0x2: {  	s2 =	rddreg [dreg:$0x1];
	s5 =	sand.u32 $0x1, s0;
	s0 =	stileid.u32  }
0x3: {  	s3 =	simm.s32 $0x0;
	s14 =	simm.s32 $0x0;
	s7 =	smul.u32 $0x14000, s0  }
0x4: {  	[smem:$0x7FF] =	sst s3;
	s1 =	sshll.u32 s5, $0x4;
	s8 =	smul.u32 $0x140000, s5  }
0x5: {  	s5 =	ssub.s32 $0x2, s5;
	s29 =	smul.u32 $0x50000, s0;
	s31 =	sshll.u32 s0, $0x6  }
0x6: {  	s4 =	sor.u32 s0, s1;
	s1 =	rddreg [dreg:$0x2];
	_ =	strace $0x80000047  }
0x7: {  	s11 =	sshrl.u32 s5, $0x1;
	s4 =	smul.u32 $0x500, s4;
	s10 =	sshrl.u32 s7, $0x3  }
0x8: {  	s7 =	sadd.s32 s7, s8;
	s11 =	ssub.s32 s5, s11;
	s30 =	sshrl.u32 s29, $0x2  }
0x9: {  	s10 =	sadd.s32 s10, s6;
	s7 =	sshrl.u32 s7, $0x3;
	s13 =	sadd.s32 s30, s2  }
0xa: {  	s9 =	sadd.s32 s4, s6;
	s4 =	sadd.s32 $0x17C00, s6;
	s12 =	sadd.s32 s7, s6  }
0xb: {  	s5 =	sadd.s32 $0x18400, s10;
	s6 =	sor.u32 $0x1C01, s31;
	s10 =	sshrl.u32 s13, $0x3  }
0xc: {  	s13 =	simm.s32 $0x80;
	s7 =	sadd.s32 $0x3C00, s9;
	s8 =	sadd.s32 $0x40400, s12  }
0xd: {  	s9 =	smax.u32 s11, $0x1;
	s11 =	simm.s32 $0x1;
	s12 =	simm.s32 $0x2800  }
.LBB2_1:
0xe: {  	[spmem:s10], [sflag:s6] =	dma.local [hbm:s5], $0x2800  }
0xf: {  	_ =	swait.ge [sflag:s11], $0x2800  }
0x10: {  	[sflag:s11] =	ssyncset.done $0x0  }
0x11: {  	[sflag:s11] =	ssyncadd.s32 $0xFFFFD800  }
0x12: {  	[tilespmem:s12], [sflag:$0x1] =	stream.linear.gather [hbm4b:s4+s3], $0x4000, $0x38;
	[tilespmem:$0x1A800] =	vst v63  }
0x13: {  	_ =	swait.ge [sflag:s11], $0x4000  }
0x14: {  	[sflag:s11] =	ssyncset.done $0x0  }
0x15: {  	[sflag:s11] =	ssyncadd.s32 $0xFFFFC000  }
0x16: {  	[tilespmem:s3], [sflag:$0x1] =	stream.linear.gather [hbm4b:s7+s3], $0x2800, $0x38;
	[tilespmem:$0x1A800] =	vst v63  }
0x17: {  	_ =	swait.ge [sflag:s11], $0x2800  }
0x18: {  	[sflag:s11] =	ssyncset.done $0x0  }
0x19: {  	[sflag:s11] =	ssyncadd.s32 $0xFFFFD800  }
0x1a: {  	s15 =	simm.s32 $0x0;
	[bflag:$0x0] =	sbarrier.arrive $0xFFFF  }
0x1b: {  	[spmem:s2] =	stream.indirect.scatter.add.f32 [tilespmem:s12], [sflag:$0x1], $0x80, s15, s13, $0xb8;
	[tilespmem:$0x1A800] =	vst v63  }
0x1c: {  	_ =	swait.ge [sflag:s11], $0x4000  }
0x1d: {  	s15 =	simm.s32 $0x200;
	[sflag:s11] =	ssyncset.done $0x0  }
.LBB2_2:
0x1e: {  	s16 =	sshra.s32 s15, $0x2;
	[sflag:s11] =	ssyncadd.s32 $0xFFFFC000;
	p0 =	sne.s32 s15, $0x9E00  }
0x1f: {  	[spmem:s2] =	stream.indirect.scatter.add.f32 [tilespmem:s12], [sflag:$0x1], $0x80, s16, s13, $0xb8;
	[tilespmem:$0x1A800] =	vst v63  }
.Ltmp0:
0x20: {  	_ = 	snop;
	(pc) =	sbr.rel @p0 .LBB2_2-.Ltmp0, $4  }
0x21: {  	_ = 	snop  }
0x22: {  	s15 =	sadd.s32 $0x200, s15  }
0x23: {  	_ =	swait.ge [sflag:s11], $0x4000  }
0x24: {  	[sflag:s11] =	ssyncset.done $0x0  }
0x25: {  	s14 =	sadd.s32 $0x1, s14  }
0x26: {  	[sflag:s11] =	ssyncadd.s32 $0xFFFFC000;
	p0 =	sne.s32 s14, s9  }
.Ltmp1:
0x27: {  	[bflag:$0x0] =	sbarrier.arrive $0xFFFF;
	(pc) =	sbr.rel @p0 .LBB2_1-.Ltmp1, $4  }
0x28: {  	[hbm:s8], [sflag:s6] =	dma.local [spmem:s10], $0x2800  }
0x29: {  	_ =	swait.ge [sflag:s11], $0x2800  }
0x2a: {  	[sflag:s11] =	ssyncset.done $0x0  }
0x2b: {  	[sflag:s11] =	ssyncadd.s32 $0xFFFFD800  }
0x2c: {  	_ =	sfence.sel $0x180000  }
0x2d: {  	[bflag:$0x0] =	sbarrier.arrive $0xFFFF  }
0x2e: {  	p0 =	sne.s32 s0, $0x0;
	_ =	strace $0x90000047  }
0x2f: {  	s0 =	sadd.s32 @!p0 $0x100000, s1;
	[bflag:$0x2] =	sbarrier.arrive $0xFFFF  }
0x30: {  	[sflag:s0] =	ssyncadd.tile.s32 @!p0 $0x1;
	_ =	shalt  }
.Lfunc_end2:
_tile_overlayer_lowered:
.L_overlay_start_2:
0x31: {  	(tag) =	ssettag $0x2  }
0x32: {  	s0 =	rddreg [dreg:$0x0];
	s2 =	stileid.u32  }
0x33: {  	s1 =	rddreg [dreg:$0x1];
	p0 =	sne.s32 s2, $0x0  }
0x34: {  	s3 =	rddreg [dreg:$0x2];
	[bflag:$0x3] =	sbarrier.arrive $0xFFFF;
	s2 =	simm.s32 @!p0 $0x1C01  }
0x35: {  	[timem:s3], [sflag:s2] =	dma.local @!p0 [hbm:s0], s1  }
0x36: {  	s0 =	simm.s32 @!p0 $0x1  }
0x37: {  	_ =	swait.ge @!p0 [sflag:s0], s1  }
0x38: {  	s1 =	ssub.s32 @!p0 $0x0, s1;
	[sflag:s0] =	ssyncset.done @!p0 $0x0  }
0x39: {  	[sflag:s0] =	ssyncadd.s32 @!p0 s1  }
0x3a: {  	[bflag:$0x3] =	sbarrier.arrive $0xFFFF  }
0x3b: {  	_ =	shalt  }

</sc_bundles>
